<compile_context>
chip_gen: v7x
topology: tpu7x:2x2x1
jax: 0.10.2.dev20260603
libtpu: 0.0.44.dev20260713+nightly
codegen_flags: <defaults>
</compile_context>

<pallas_src>
import functools

import jax
import jax.numpy as jnp
from jax import lax
from jax.experimental import pallas as pl
from jax.experimental.pallas import tpu as pltpu
from jax.experimental.pallas import tpu_sc as plsc

_N = 10000
_E = 320000
_H = 128
_NC = 2
_NS = 16
_NW = _NC * _NS
_N2 = 10240
_RPS = _N2 // _NS
_CHUNKS = 2560
_E_PAD = _CHUNKS * 128
_SEG_GPW = _CHUNKS // _NW
_DEC_GPW = _CHUNKS // _NW

def _sc_mesh():
    return plsc.VectorSubcoreMesh(core_axis_name="c", subcore_axis_name="s",
                                  num_cores=_NC, num_subcores=_NS)


@functools.cache
def _build_sc_segsum():
    @functools.partial(
        pl.kernel,
        out_type=jax.ShapeDtypeStruct((_NC, _N2, _H), jnp.float32),
        mesh=_sc_mesh(),
        scratch_types=[
            pltpu.VMEM((2, 128), jnp.int32),
            pltpu.VMEM((2, 128), jnp.int32),
            pltpu.VMEM((128, _H), jnp.float32),
            pltpu.VMEM((128, _H), jnp.float32),
            pltpu.VMEM_SHARED((_N2, _H), jnp.float32),
            pltpu.SemaphoreType.DMA,
            pltpu.SemaphoreType.DMA,
            pltpu.SemaphoreType.DMA,
            pltpu.SemaphoreType.DMA,
        ],
    )
    def k(h_hbm, ci_hbm, zrow_hbm, agg_hbm,
          cidx0, cidx1, rows0, rows1, acc, sg0, sg1, ss0, ss1):
        c = lax.axis_index("c")
        s = lax.axis_index("s")
        wid = s * _NC + c
        base = s * _RPS
        cidx = (cidx0, cidx1)
        rows = (rows0, rows1)
        sg = (sg0, sg1)
        ss = (ss0, ss1)
        pltpu.sync_copy(zrow_hbm, acc.at[pl.ds(base, _RPS)])
        plsc.subcore_barrier()

        for b in range(2):
            g = b * _NW + wid
            pltpu.sync_copy(ci_hbm.at[pl.ds(g * 2, 2)], cidx[b])
            pltpu.async_copy(h_hbm.at[cidx[b].at[0]], rows[b], sg[b])

        @pl.loop(0, _SEG_GPW // 2)
        def _(i):
            for b in range(2):
                gi = i * 2 + b
                pltpu.make_async_copy(h_hbm.at[cidx[b].at[0]], rows[b],
                                      sg[b]).wait()
                pltpu.async_copy(rows[b], acc.at[cidx[b].at[1]], ss[b],
                                 add=True)

                @pl.when(gi + 2 < _SEG_GPW)
                def _():
                    pltpu.make_async_copy(rows[b], acc.at[cidx[b].at[1]],
                                          ss[b]).wait()
                    g2 = (gi + 2) * _NW + wid
                    pltpu.sync_copy(ci_hbm.at[pl.ds(g2 * 2, 2)], cidx[b])
                    pltpu.async_copy(h_hbm.at[cidx[b].at[0]], rows[b], sg[b])

        for b in range(2):
            pltpu.make_async_copy(rows[b], acc.at[cidx[b].at[1]], ss[b]).wait()
        plsc.subcore_barrier()
        pltpu.sync_copy(acc.at[pl.ds(base, _RPS)],
                        agg_hbm.at[c].at[pl.ds(base, _RPS)])

    return k


def _sc_segsum(h, ci2d, zrow):
    return _build_sc_segsum()(h, ci2d, zrow)


@functools.cache
def _build_sc_counts():
    @functools.partial(
        pl.kernel,
        out_type=jax.ShapeDtypeStruct((_NC, _N2, _H), jnp.float32),
        mesh=_sc_mesh(),
        scratch_types=[
            pltpu.VMEM((1, 128), jnp.int32),
            pltpu.VMEM((128, _H), jnp.float32),
            pltpu.VMEM_SHARED((_N2, _H), jnp.float32),
        ],
    )
    def k(d_hbm, zrow_hbm, ones_hbm, cnt_hbm, didx, ones_v, cacc):
        c = lax.axis_index("c")
        s = lax.axis_index("s")
        wid = s * _NC + c
        base = s * _RPS
        pltpu.sync_copy(zrow_hbm, cacc.at[pl.ds(base, _RPS)])
        pltpu.sync_copy(ones_hbm, ones_v)
        plsc.subcore_barrier()

        @pl.loop(0, _CHUNKS // _NW)
        def _(gi):
            g = gi * _NW + wid
            pltpu.sync_copy(d_hbm.at[pl.ds(g, 1)], didx)
            pltpu.sync_copy(ones_v, cacc.at[didx.at[0]], add=True)

        plsc.subcore_barrier()
        pltpu.sync_copy(cacc.at[pl.ds(base, _RPS)],
                        cnt_hbm.at[c].at[pl.ds(base, _RPS)])

    return k


def _sc_counts(d2d, zrow, ones128):
    return _build_sc_counts()(d2d, zrow, ones128)


@functools.cache
def _build_sc_edge_gather():
    @functools.partial(
        pl.kernel,
        out_type=jax.ShapeDtypeStruct((_CHUNKS * 256, _H), jnp.float32),
        mesh=_sc_mesh(),
        scratch_types=[
            pltpu.VMEM((2, 128), jnp.int32),
            pltpu.VMEM((2, 128), jnp.int32),
            pltpu.VMEM((256, _H), jnp.float32),
            pltpu.VMEM((256, _H), jnp.float32),
            pltpu.SemaphoreType.DMA,
            pltpu.SemaphoreType.DMA,
            pltpu.SemaphoreType.DMA,
            pltpu.SemaphoreType.DMA,
        ],
    )
    def k(a_hbm, b_hbm, ci_hbm, gab_hbm,
          cidx0, cidx1, rows0, rows1, sg0, sg1, sw0, sw1):
        c = lax.axis_index("c")
        s = lax.axis_index("s")
        wid = s * _NC + c
        cidx = (cidx0, cidx1)
        rows = (rows0, rows1)
        sg = (sg0, sg1)
        sw = (sw0, sw1)

        def start_gathers(b):
            pltpu.async_copy(a_hbm.at[cidx[b].at[0]],
                             rows[b].at[pl.ds(0, 128)], sg[b])
            pltpu.async_copy(b_hbm.at[cidx[b].at[1]],
                             rows[b].at[pl.ds(128, 128)], sg[b])

        def wait_gathers(b):
            pltpu.make_async_copy(a_hbm.at[cidx[b].at[0]],
                                  rows[b].at[pl.ds(0, 128)], sg[b]).wait()
            pltpu.make_async_copy(b_hbm.at[cidx[b].at[1]],
                                  rows[b].at[pl.ds(128, 128)], sg[b]).wait()

        for b in range(2):
            g = b * _NW + wid
            pltpu.sync_copy(ci_hbm.at[pl.ds(g * 2, 2)], cidx[b])
            start_gathers(b)

        @pl.loop(0, _DEC_GPW // 2)
        def _(i):
            for b in range(2):
                gi = i * 2 + b
                g = gi * _NW + wid
                wait_gathers(b)
                pltpu.async_copy(rows[b], gab_hbm.at[pl.ds(g * 256, 256)],
                                 sw[b])

                @pl.when(gi + 2 < _DEC_GPW)
                def _():
                    pltpu.make_async_copy(rows[b],
                                          gab_hbm.at[pl.ds(g * 256, 256)],
                                          sw[b]).wait()
                    g2 = (gi + 2) * _NW + wid
                    pltpu.sync_copy(ci_hbm.at[pl.ds(g2 * 2, 2)], cidx[b])
                    start_gathers(b)

        for b in range(2):
            pltpu.make_async_copy(rows[b], gab_hbm.at[pl.ds(0, 256)],
                                  sw[b]).wait()

    return k


def _sc_edge_gather(a, b, ci2d):
    return _build_sc_edge_gather()(a, b, ci2d)


def _tc_sage_body(relu, a0, a1, c0, c1, h, wlt, bl, wrt, o):
    cnt = jnp.maximum(c0[...] + c1[...], 1.0)
    agg = (a0[...] + a1[...]) / cnt
    v = (jnp.dot(agg, wlt[...], preferred_element_type=jnp.float32) + bl[...]
         + jnp.dot(h[...], wrt[...], preferred_element_type=jnp.float32))
    o[...] = jnp.maximum(v, 0.0) if relu else v


def _tc_sage(relu, a0, a1, c0, c1, h, wlt, bl, wrt):
    return pl.pallas_call(
        functools.partial(_tc_sage_body, relu),
        out_shape=jax.ShapeDtypeStruct((_N, _H), jnp.float32),
    )(a0, a1, c0, c1, h, wlt, bl, wrt)


def _tc_decode_prep_body(a0, a1, c0, c1, z1, wlt, bl, wrt, wdlt, wdrt, bd1,
                         oa, ob):
    cnt = jnp.maximum(c0[...] + c1[...], 1.0)
    agg = (a0[...] + a1[...]) / cnt
    z2 = (jnp.dot(agg, wlt[...], preferred_element_type=jnp.float32) + bl[...]
          + jnp.dot(z1[...], wrt[...], preferred_element_type=jnp.float32))
    oa[...] = jnp.dot(z2, wdlt[...], preferred_element_type=jnp.float32) + bd1[...]
    ob[...] = jnp.dot(z2, wdrt[...], preferred_element_type=jnp.float32)


def _tc_decode_prep(a0, a1, c0, c1, z1, wlt, bl, wrt, wdlt, wdrt, bd1):
    return pl.pallas_call(
        _tc_decode_prep_body,
        out_shape=(jax.ShapeDtypeStruct((_N, _H), jnp.float32),
                   jax.ShapeDtypeStruct((_N, _H), jnp.float32)),
    )(a0, a1, c0, c1, z1, wlt, bl, wrt, wdlt, wdrt, bd1)


_LCHUNKS = 8


def _tc_logits_body(gab, w2, b2, o):
    v = gab[...]
    ga = jnp.concatenate(
        [v[k * 256:k * 256 + 128] for k in range(_LCHUNKS)], axis=0)
    gb = jnp.concatenate(
        [v[k * 256 + 128:k * 256 + 256] for k in range(_LCHUNKS)], axis=0)
    r = jnp.maximum(ga + gb, 0.0)
    o[...] = jnp.sum(r * w2[...], axis=1, keepdims=True) + b2[...]


def _tc_logits(gab, w2, b2):
    nblk = _CHUNKS // _LCHUNKS
    return pl.pallas_call(
        _tc_logits_body,
        grid=(nblk,),
        in_specs=[
            pl.BlockSpec((_LCHUNKS * 256, _H), lambda i: (i, 0)),
            pl.BlockSpec((1, _H), lambda i: (0, 0)),
            pl.BlockSpec((1, 1), lambda i: (0, 0)),
        ],
        out_specs=pl.BlockSpec((_LCHUNKS * 128, 1), lambda i: (i, 0)),
        out_shape=jax.ShapeDtypeStruct((_E_PAD, 1), jnp.float32),
    )(gab, w2, b2)


def kernel(x, edge_index, Wl1, bl1, Wr1, Wl2, bl2, Wr2, Wd1, bd1, Wd2, bd2):
    src = edge_index[0]
    dst = edge_index[1]
    npad = _E_PAD - _E
    src2d = jnp.concatenate([src, jnp.zeros((npad,), jnp.int32)]).reshape(_CHUNKS, 128)
    dst2d_seg = jnp.concatenate(
        [dst, jnp.full((npad,), _N2 - 1, jnp.int32)]).reshape(_CHUNKS, 128)
    dst2d_dec = jnp.concatenate(
        [dst, jnp.zeros((npad,), jnp.int32)]).reshape(_CHUNKS, 128)
    ci_seg = jnp.stack([src2d, dst2d_seg], axis=1).reshape(_CHUNKS * 2, 128)
    ci_dec = jnp.stack([src2d, dst2d_dec], axis=1).reshape(_CHUNKS * 2, 128)

    zrow = jnp.zeros((_RPS, _H), jnp.float32)
    ones128 = jnp.ones((128, _H), jnp.float32)

    wl1t = Wl1.T
    wr1t = Wr1.T
    wl2t = Wl2.T
    wr2t = Wr2.T
    wdlt = Wd1[:, :_H].T
    wdrt = Wd1[:, _H:].T
    bl1r = bl1.reshape(1, _H)
    bl2r = bl2.reshape(1, _H)
    bd1r = bd1.reshape(1, _H)
    w2r = Wd2.reshape(1, _H)
    b2r = bd2.reshape(1, 1)

    cnt = _sc_counts(dst2d_seg, zrow, ones128)
    zrow1 = zrow + cnt[0, 0, 0] * 0.0
    agg1 = _sc_segsum(x, ci_seg, zrow1)
    c0 = cnt[0, :_N, 0:1]
    c1 = cnt[1, :_N, 0:1]
    z1 = _tc_sage(True, agg1[0, :_N], agg1[1, :_N], c0, c1, x, wl1t, bl1r, wr1t)

    agg2 = _sc_segsum(z1, ci_seg, zrow)
    A, B = _tc_decode_prep(agg2[0, :_N], agg2[1, :_N], c0, c1, z1,
                           wl2t, bl2r, wr2t, wdlt, wdrt, bd1r)

    gab = _sc_edge_gather(A, B, ci_dec)
    logits = _tc_logits(gab, w2r, b2r)
    return logits[:_E, 0]

# --- scband reference (transcript-rebuilt; emitter-appended) ---
"""Pipeline reference for scband-edge-predictor-gnn-30090540876016 (READ-ONLY COPY).

The authoritative reference and input builder live on the scoring server;
editing this copy changes nothing except your own understanding.
"""

import jax, jax.numpy as jnp
import numpy as np

N = 10000
E = 320000
IN = 128
H = 128


def setup_inputs(seed: int = 0) -> dict:
    key = jax.random.key(seed)
    ks = jax.random.split(key, 14)
    x = jax.random.normal(ks[0], (N, IN), dtype=jnp.float32)
    edge_index = jax.random.randint(ks[1], (2, E), 0, N, dtype=jnp.int32)
    s_in = 1.0 / np.sqrt(IN)
    s_h = 1.0 / np.sqrt(H)
    s_2h = 1.0 / np.sqrt(2 * H)
    Wl1 = jax.random.normal(ks[2], (H, IN), dtype=jnp.float32) * s_in
    bl1 = jnp.zeros((H,), dtype=jnp.float32)
    Wr1 = jax.random.normal(ks[3], (H, IN), dtype=jnp.float32) * s_in
    Wl2 = jax.random.normal(ks[4], (H, H), dtype=jnp.float32) * s_h
    bl2 = jnp.zeros((H,), dtype=jnp.float32)
    Wr2 = jax.random.normal(ks[5], (H, H), dtype=jnp.float32) * s_h
    Wd1 = jax.random.normal(ks[6], (H, 2 * H), dtype=jnp.float32) * s_2h
    bd1 = jnp.zeros((H,), dtype=jnp.float32)
    Wd2 = jax.random.normal(ks[7], (1, H), dtype=jnp.float32) * s_h
    bd2 = jnp.zeros((1,), dtype=jnp.float32)
    return {"x": x, "edge_index": edge_index, "Wl1": Wl1, "bl1": bl1, "Wr1": Wr1,
            "Wl2": Wl2, "bl2": bl2, "Wr2": Wr2, "Wd1": Wd1, "bd1": bd1,
            "Wd2": Wd2, "bd2": bd2}


def reference(x, edge_index, Wl1, bl1, Wr1, Wl2, bl2, Wr2, Wd1, bd1, Wd2, bd2):
    src = edge_index[0]
    dst = edge_index[1]

    def sage(h, Wl, bl, Wr):
        # message = x[src], mean-aggregated at dst (PyG SAGEConv, aggr='mean')
        msgs = h[src]
        agg = jax.ops.segment_sum(msgs, dst, num_segments=N)
        cnt = jax.ops.segment_sum(jnp.ones((E,), dtype=h.dtype), dst, num_segments=N)
        agg = agg / jnp.maximum(cnt, 1.0)[:, None]
        # out = lin_l(agg) + lin_r(x); lin_l carries the bias
        return agg @ Wl.T + bl + h @ Wr.T

    # encode (dropout is identity in eval mode)
    z = jax.nn.relu(sage(x, Wl1, bl1, Wr1))
    z = sage(z, Wl2, bl2, Wr2)
    # decode: gather endpoints, concat, MLP
    e = jnp.concatenate([z[src], z[dst]], axis=1)
    h1 = jax.nn.relu(e @ Wd1.T + bd1)
    logits = h1 @ Wd2.T + bd2
    return logits.squeeze(-1)

if __name__ == "__main__":
    import jax
    _d = setup_inputs()
    print(jax.jit(kernel)(*tuple(_d.values())))

</pallas_src>

<mosaic_0001>
#map = affine_map<(d0, d1) -> (0, 0)>
#map1 = affine_map<(d0, d1) -> (0, 0, 0)>
module attributes {stable_mosaic.version = 14 : i64} {
  func.func @k(%arg0: i32, %arg1: i32, %arg2: memref<2560x128xi32, #tpu.memory_space<hbm>>, %arg3: memref<640x128xf32, #tpu.memory_space<hbm>>, %arg4: memref<128x128xf32, #tpu.memory_space<hbm>>, %arg5: memref<2x10240x128xf32, #tpu.memory_space<hbm>>, %arg6: memref<1x128xi32, #tpu.memory_space<vmem>>, %arg7: memref<128x128xf32, #tpu.memory_space<vmem>>, %arg8: memref<10240x128xf32, #tpu.memory_space<vmem_shared>>) attributes {dimension_semantics = [#tpu.dimension_semantics<core_parallel>, #tpu.dimension_semantics<subcore_parallel>], iteration_bounds = array<i64: 2, 16>, scalar_prefetch = 0 : i64, scratch_operands = 3 : i64, tpu.core_type = #tpu.core_type<sc_vector_subcore>, window_params = [{transform_indices = #map}, {transform_indices = #map}, {transform_indices = #map}, {transform_indices = #map1}]} {
    %mul3A = arith.constant 2 : i32
    %mul3A_0 = arith.muli %arg1, %mul3A : i32
    %add3A = arith.addi %mul3A_0, %arg0 : i32
    %mul3A_1 = arith.constant 640 : i32
    %mul3A_2 = arith.muli %arg1, %mul3A_1 : i32
    "tpu.region"() ({
      %run_scoped3A = tpu.sem_alloc : memref<!tpu.dma_semaphore, #tpu.memory_space<semaphore_mem>>
      %dma_start3A = arith.constant 0 : i32
      %dma_start3A_8 = tpu.memref_slice %arg8[%mul3A_2, %dma_start3A] : memref<10240x128xf32, #tpu.memory_space<vmem_shared>> -> memref<640x128xf32, #tpu.memory_space<vmem_shared>>
      tpu.enqueue_dma source(%arg3 : memref<640x128xf32, #tpu.memory_space<hbm>>) target(%dma_start3A_8 : memref<640x128xf32, #tpu.memory_space<vmem_shared>>) target_semaphore(%run_scoped3A : memref<!tpu.dma_semaphore, #tpu.memory_space<semaphore_mem>>)
      %dma_wait3A = arith.constant 0 : i32
      %dma_wait3A_9 = tpu.memref_slice %arg8[%mul3A_2, %dma_wait3A] : memref<10240x128xf32, #tpu.memory_space<vmem_shared>> -> memref<640x128xf32, #tpu.memory_space<vmem_shared>>
      tpu.wait_dma2 semaphore(%run_scoped3A : memref<!tpu.dma_semaphore, #tpu.memory_space<semaphore_mem>>) src(%arg3 : memref<640x128xf32, #tpu.memory_space<hbm>>) dst(%dma_wait3A_9 : memref<640x128xf32, #tpu.memory_space<vmem_shared>>)
      tpu.yield
    }) : () -> ()
    "tpu.region"() ({
      %run_scoped3A = tpu.sem_alloc : memref<!tpu.dma_semaphore, #tpu.memory_space<semaphore_mem>>
      tpu.enqueue_dma source(%arg4 : memref<128x128xf32, #tpu.memory_space<hbm>>) target(%arg7 : memref<128x128xf32, #tpu.memory_space<vmem>>) target_semaphore(%run_scoped3A : memref<!tpu.dma_semaphore, #tpu.memory_space<semaphore_mem>>)
      tpu.wait_dma2 semaphore(%run_scoped3A : memref<!tpu.dma_semaphore, #tpu.memory_space<semaphore_mem>>) src(%arg4 : memref<128x128xf32, #tpu.memory_space<hbm>>) dst(%arg7 : memref<128x128xf32, #tpu.memory_space<vmem>>)
      tpu.yield
    }) : () -> ()
    %barrier3A = arith.constant 0 : index
    tpu.barrier barrier_id(%barrier3A)
    %scan3A = arith.constant 0 : i32
    %scan3A_3 = arith.constant 80 : i32
    %scan3A_4 = arith.addi %scan3A, %scan3A_3 : i32
    %scan3A_5 = arith.constant 1 : i32
    scf.for %scan3A_8 = %scan3A to %scan3A_4 step %scan3A_5  : i32 {
      %mul3A_9 = arith.constant 1 : i32
      %mul3A_10 = arith.muli %scan3A_8, %mul3A_9 : i32
      %add3A_11 = arith.constant 0 : i32
      %add3A_12 = arith.addi %add3A_11, %mul3A_10 : i32
      %mul3A_13 = arith.constant 32 : i32
      %mul3A_14 = arith.muli %add3A_12, %mul3A_13 : i32
      %add3A_15 = arith.addi %mul3A_14, %add3A : i32
      "tpu.region"() ({
        %run_scoped3A_16 = tpu.sem_alloc : memref<!tpu.dma_semaphore, #tpu.memory_space<semaphore_mem>>
        %dma_start3A = arith.constant 0 : i32
        %dma_start3A_17 = tpu.memref_slice %arg2[%add3A_15, %dma_start3A] : memref<2560x128xi32, #tpu.memory_space<hbm>> -> memref<1x128xi32, #tpu.memory_space<hbm>>
        %dma_start3A_18 = arith.constant 0 : i32
        %dma_start3A_19 = tpu.memref_slice %arg2[%add3A_15, %dma_start3A_18] : memref<2560x128xi32, #tpu.memory_space<hbm>> -> memref<1x128xi32, #tpu.memory_space<hbm>>
        tpu.enqueue_dma source(%dma_start3A_19 : memref<1x128xi32, #tpu.memory_space<hbm>>) target(%arg6 : memref<1x128xi32, #tpu.memory_space<vmem>>) target_semaphore(%run_scoped3A_16 : memref<!tpu.dma_semaphore, #tpu.memory_space<semaphore_mem>>)
        %dma_wait3A = arith.constant 0 : i32
        %dma_wait3A_20 = tpu.memref_slice %arg2[%add3A_15, %dma_wait3A] : memref<2560x128xi32, #tpu.memory_space<hbm>> -> memref<1x128xi32, #tpu.memory_space<hbm>>
        %dma_wait3A_21 = arith.constant 0 : i32
        %dma_wait3A_22 = tpu.memref_slice %arg2[%add3A_15, %dma_wait3A_21] : memref<2560x128xi32, #tpu.memory_space<hbm>> -> memref<1x128xi32, #tpu.memory_space<hbm>>
        tpu.wait_dma2 semaphore(%run_scoped3A_16 : memref<!tpu.dma_semaphore, #tpu.memory_space<semaphore_mem>>) src(%dma_wait3A_22 : memref<1x128xi32, #tpu.memory_space<hbm>>) dst(%arg6 : memref<1x128xi32, #tpu.memory_space<vmem>>)
        tpu.yield
      }) : () -> ()
      %run_scoped3A = arith.constant 0 : i32
      "tpu.region"() ({
        %run_scoped3A_16 = tpu.sem_alloc : memref<!tpu.dma_semaphore, #tpu.memory_space<semaphore_mem>>
        %dma_start3A = arith.constant 0 : i32
        %dma_start3A_17 = tpu.memref_slice %arg6[%run_scoped3A, %dma_start3A] : memref<1x128xi32, #tpu.memory_space<vmem>> -> memref<1x128xi32, #tpu.memory_space<vmem>>
        %dma_start3A_18 = tpu.memref_squeeze %dma_start3A_17 : memref<1x128xi32, #tpu.memory_space<vmem>> -> memref<128xi32, #tpu.memory_space<vmem>>
        %dma_start3A_19 = arith.constant 0 : i32
        %dma_start3A_20 = arith.constant 0 : i32
        %dma_start3A_21 = tpu.memref_slice %arg8[%dma_start3A_19, %dma_start3A_20] : memref<10240x128xf32, #tpu.memory_space<vmem_shared>> -> memref<10240x128xf32, #tpu.memory_space<vmem_shared>>
        tpu.enqueue_indirect_dma source(%arg7 : memref<128x128xf32, #tpu.memory_space<vmem>>) target(%dma_start3A_21 : memref<10240x128xf32, #tpu.memory_space<vmem_shared>>) offsets(%dma_start3A_18 : memref<128xi32, #tpu.memory_space<vmem>>) semaphore(%run_scoped3A_16 : memref<!tpu.dma_semaphore, #tpu.memory_space<semaphore_mem>>) {add = true}
        %dma_wait3A = arith.constant 0 : i32
        %dma_wait3A_22 = tpu.memref_slice %arg6[%run_scoped3A, %dma_wait3A] : memref<1x128xi32, #tpu.memory_space<vmem>> -> memref<1x128xi32, #tpu.memory_space<vmem>>
        %dma_wait3A_23 = tpu.memref_squeeze %dma_wait3A_22 : memref<1x128xi32, #tpu.memory_space<vmem>> -> memref<128xi32, #tpu.memory_space<vmem>>
        %dma_wait3A_24 = arith.constant 0 : i32
        %dma_wait3A_25 = arith.constant 0 : i32
        %dma_wait3A_26 = tpu.memref_slice %arg8[%dma_wait3A_24, %dma_wait3A_25] : memref<10240x128xf32, #tpu.memory_space<vmem_shared>> -> memref<10240x128xf32, #tpu.memory_space<vmem_shared>>
        tpu.wait_indirect_dma semaphore(%run_scoped3A_16 : memref<!tpu.dma_semaphore, #tpu.memory_space<semaphore_mem>>) src(%arg7 : memref<128x128xf32, #tpu.memory_space<vmem>>) dst(%dma_wait3A_26 : memref<10240x128xf32, #tpu.memory_space<vmem_shared>>)
        tpu.yield
      }) : () -> ()
    }
    %scan3A_6 = arith.constant 80 : i32
    %barrier3A_7 = arith.constant 0 : index
    tpu.barrier barrier_id(%barrier3A_7)
    "tpu.region"() ({
      %run_scoped3A = tpu.sem_alloc : memref<!tpu.dma_semaphore, #tpu.memory_space<semaphore_mem>>
      %dma_start3A = arith.constant 0 : i32
      %dma_start3A_8 = arith.constant 0 : i32
      %dma_start3A_9 = tpu.memref_slice %arg5[%arg0, %dma_start3A, %dma_start3A_8] : memref<2x10240x128xf32, #tpu.memory_space<hbm>> -> memref<1x10240x128xf32, #tpu.memory_space<hbm>>
      %dma_start3A_10 = tpu.memref_squeeze %dma_start3A_9 : memref<1x10240x128xf32, #tpu.memory_space<hbm>> -> memref<10240x128xf32, #tpu.memory_space<hbm>>
      %dma_start3A_11 = arith.constant 0 : i32
      %dma_start3A_12 = tpu.memref_slice %dma_start3A_10[%mul3A_2, %dma_start3A_11] : memref<10240x128xf32, #tpu.memory_space<hbm>> -> memref<640x128xf32, #tpu.memory_space<hbm>>
      %dma_start3A_13 = arith.constant 0 : i32
      %dma_start3A_14 = tpu.memref_slice %arg8[%mul3A_2, %dma_start3A_13] : memref<10240x128xf32, #tpu.memory_space<vmem_shared>> -> memref<640x128xf32, #tpu.memory_space<vmem_shared>>
      tpu.enqueue_dma source(%dma_start3A_14 : memref<640x128xf32, #tpu.memory_space<vmem_shared>>) target(%dma_start3A_12 : memref<640x128xf32, #tpu.memory_space<hbm>>) target_semaphore(%run_scoped3A : memref<!tpu.dma_semaphore, #tpu.memory_space<semaphore_mem>>)
      %dma_wait3A = arith.constant 0 : i32
      %dma_wait3A_15 = arith.constant 0 : i32
      %dma_wait3A_16 = tpu.memref_slice %arg5[%arg0, %dma_wait3A, %dma_wait3A_15] : memref<2x10240x128xf32, #tpu.memory_space<hbm>> -> memref<1x10240x128xf32, #tpu.memory_space<hbm>>
      %dma_wait3A_17 = tpu.memref_squeeze %dma_wait3A_16 : memref<1x10240x128xf32, #tpu.memory_space<hbm>> -> memref<10240x128xf32, #tpu.memory_space<hbm>>
      %dma_wait3A_18 = arith.constant 0 : i32
      %dma_wait3A_19 = tpu.memref_slice %dma_wait3A_17[%mul3A_2, %dma_wait3A_18] : memref<10240x128xf32, #tpu.memory_space<hbm>> -> memref<640x128xf32, #tpu.memory_space<hbm>>
      %dma_wait3A_20 = arith.constant 0 : i32
      %dma_wait3A_21 = tpu.memref_slice %arg8[%mul3A_2, %dma_wait3A_20] : memref<10240x128xf32, #tpu.memory_space<vmem_shared>> -> memref<640x128xf32, #tpu.memory_space<vmem_shared>>
      tpu.wait_dma2 semaphore(%run_scoped3A : memref<!tpu.dma_semaphore, #tpu.memory_space<semaphore_mem>>) src(%dma_wait3A_21 : memref<640x128xf32, #tpu.memory_space<vmem_shared>>) dst(%dma_wait3A_19 : memref<640x128xf32, #tpu.memory_space<hbm>>)
      tpu.yield
    }) : () -> ()
    return
  }
}

#map = affine_map<(d0, d1) -> (0, 0)>
module attributes {stable_mosaic.version = 14 : i64} {
  func.func @k(%arg0: i32, %arg1: i32, %arg2: memref<10000x128xf32, #tpu.memory_space<hbm>>, %arg3: memref<10000x128xf32, #tpu.memory_space<hbm>>, %arg4: memref<5120x128xi32, #tpu.memory_space<hbm>>, %arg5: memref<655360x128xf32, #tpu.memory_space<hbm>>, %arg6: memref<2x128xi32, #tpu.memory_space<vmem>>, %arg7: memref<2x128xi32, #tpu.memory_space<vmem>>, %arg8: memref<256x128xf32, #tpu.memory_space<vmem>>, %arg9: memref<256x128xf32, #tpu.memory_space<vmem>>, %arg10: memref<!tpu.dma_semaphore, #tpu.memory_space<semaphore_mem>>, %arg11: memref<!tpu.dma_semaphore, #tpu.memory_space<semaphore_mem>>, %arg12: memref<!tpu.dma_semaphore, #tpu.memory_space<semaphore_mem>>, %arg13: memref<!tpu.dma_semaphore, #tpu.memory_space<semaphore_mem>>) attributes {dimension_semantics = [#tpu.dimension_semantics<core_parallel>, #tpu.dimension_semantics<subcore_parallel>], iteration_bounds = array<i64: 2, 16>, scalar_prefetch = 0 : i64, scratch_operands = 8 : i64, tpu.core_type = #tpu.core_type<sc_vector_subcore>, window_params = [{transform_indices = #map}, {transform_indices = #map}, {transform_indices = #map}, {transform_indices = #map}]} {
    %mul3A = arith.constant 2 : i32
    %mul3A_0 = arith.muli %arg1, %mul3A : i32
    %add3A = arith.addi %mul3A_0, %arg0 : i32
    %add3A_1 = arith.constant 0 : i32
    %add3A_2 = arith.addi %add3A_1, %add3A : i32
    %mul3A_3 = arith.constant 2 : i32
    %mul3A_4 = arith.muli %add3A_2, %mul3A_3 : i32
    "tpu.region"() ({
      %run_scoped3A = tpu.sem_alloc : memref<!tpu.dma_semaphore, #tpu.memory_space<semaphore_mem>>
      %dma_start3A_63 = arith.constant 0 : i32
      %dma_start3A_64 = tpu.memref_slice %arg4[%mul3A_4, %dma_start3A_63] : memref<5120x128xi32, #tpu.memory_space<hbm>> -> memref<2x128xi32, #tpu.memory_space<hbm>>
      %dma_start3A_65 = arith.constant 0 : i32
      %dma_start3A_66 = tpu.memref_slice %arg4[%mul3A_4, %dma_start3A_65] : memref<5120x128xi32, #tpu.memory_space<hbm>> -> memref<2x128xi32, #tpu.memory_space<hbm>>
      tpu.enqueue_dma source(%dma_start3A_66 : memref<2x128xi32, #tpu.memory_space<hbm>>) target(%arg6 : memref<2x128xi32, #tpu.memory_space<vmem>>) target_semaphore(%run_scoped3A : memref<!tpu.dma_semaphore, #tpu.memory_space<semaphore_mem>>)
      %dma_wait3A_67 = arith.constant 0 : i32
      %dma_wait3A_68 = tpu.memref_slice %arg4[%mul3A_4, %dma_wait3A_67] : memref<5120x128xi32, #tpu.memory_space<hbm>> -> memref<2x128xi32, #tpu.memory_space<hbm>>
      %dma_wait3A_69 = arith.constant 0 : i32
      %dma_wait3A_70 = tpu.memref_slice %arg4[%mul3A_4, %dma_wait3A_69] : memref<5120x128xi32, #tpu.memory_space<hbm>> -> memref<2x128xi32, #tpu.memory_space<hbm>>
      tpu.wait_dma2 semaphore(%run_scoped3A : memref<!tpu.dma_semaphore, #tpu.memory_space<semaphore_mem>>) src(%dma_wait3A_70 : memref<2x128xi32, #tpu.memory_space<hbm>>) dst(%arg6 : memref<2x128xi32, #tpu.memory_space<vmem>>)
      tpu.yield
    }) : () -> ()
    %dma_start3A = arith.constant 0 : i32
    %dma_start3A_5 = arith.constant 0 : i32
    %dma_start3A_6 = arith.constant 0 : i32
    %dma_start3A_7 = tpu.memref_slice %arg8[%dma_start3A_5, %dma_start3A_6] : memref<256x128xf32, #tpu.memory_space<vmem>> -> memref<128x128xf32, #tpu.memory_space<vmem>>
    %dma_start3A_8 = arith.constant 0 : i32
    %dma_start3A_9 = tpu.memref_slice %arg6[%dma_start3A, %dma_start3A_8] : memref<2x128xi32, #tpu.memory_space<vmem>> -> memref<1x128xi32, #tpu.memory_space<vmem>>
    %dma_start3A_10 = tpu.memref_squeeze %dma_start3A_9 : memref<1x128xi32, #tpu.memory_space<vmem>> -> memref<128xi32, #tpu.memory_space<vmem>>
    %dma_start3A_11 = arith.constant 0 : i32
    %dma_start3A_12 = arith.constant 0 : i32
    %dma_start3A_13 = tpu.memref_slice %arg2[%dma_start3A_11, %dma_start3A_12] : memref<10000x128xf32, #tpu.memory_space<hbm>> -> memref<10000x128xf32, #tpu.memory_space<hbm>>
    tpu.enqueue_indirect_dma source(%dma_start3A_13 : memref<10000x128xf32, #tpu.memory_space<hbm>>) target(%dma_start3A_7 : memref<128x128xf32, #tpu.memory_space<vmem>>) offsets(%dma_start3A_10 : memref<128xi32, #tpu.memory_space<vmem>>) semaphore(%arg10 : memref<!tpu.dma_semaphore, #tpu.memory_space<semaphore_mem>>)
    %dma_start3A_14 = arith.constant 1 : i32
    %dma_start3A_15 = arith.constant 128 : i32
    %dma_start3A_16 = arith.constant 0 : i32
    %dma_start3A_17 = tpu.memref_slice %arg8[%dma_start3A_15, %dma_start3A_16] : memref<256x128xf32, #tpu.memory_space<vmem>> -> memref<128x128xf32, #tpu.memory_space<vmem>>
    %dma_start3A_18 = arith.constant 0 : i32
    %dma_start3A_19 = tpu.memref_slice %arg6[%dma_start3A_14, %dma_start3A_18] : memref<2x128xi32, #tpu.memory_space<vmem>> -> memref<1x128xi32, #tpu.memory_space<vmem>>
    %dma_start3A_20 = tpu.memref_squeeze %dma_start3A_19 : memref<1x128xi32, #tpu.memory_space<vmem>> -> memref<128xi32, #tpu.memory_space<vmem>>
    %dma_start3A_21 = arith.constant 0 : i32
    %dma_start3A_22 = arith.constant 0 : i32
    %dma_start3A_23 = tpu.memref_slice %arg3[%dma_start3A_21, %dma_start3A_22] : memref<10000x128xf32, #tpu.memory_space<hbm>> -> memref<10000x128xf32, #tpu.memory_space<hbm>>
    tpu.enqueue_indirect_dma source(%dma_start3A_23 : memref<10000x128xf32, #tpu.memory_space<hbm>>) target(%dma_start3A_17 : memref<128x128xf32, #tpu.memory_space<vmem>>) offsets(%dma_start3A_20 : memref<128xi32, #tpu.memory_space<vmem>>) semaphore(%arg10 : memref<!tpu.dma_semaphore, #tpu.memory_space<semaphore_mem>>)
    %add3A_24 = arith.constant 32 : i32
    %add3A_25 = arith.addi %add3A_24, %add3A : i32
    %mul3A_26 = arith.constant 2 : i32
    %mul3A_27 = arith.muli %add3A_25, %mul3A_26 : i32
    "tpu.region"() ({
      %run_scoped3A = tpu.sem_alloc : memref<!tpu.dma_semaphore, #tpu.memory_space<semaphore_mem>>
      %dma_start3A_63 = arith.constant 0 : i32
      %dma_start3A_64 = tpu.memref_slice %arg4[%mul3A_27, %dma_start3A_63] : memref<5120x128xi32, #tpu.memory_space<hbm>> -> memref<2x128xi32, #tpu.memory_space<hbm>>
      %dma_start3A_65 = arith.constant 0 : i32
      %dma_start3A_66 = tpu.memref_slice %arg4[%mul3A_27, %dma_start3A_65] : memref<5120x128xi32, #tpu.memory_space<hbm>> -> memref<2x128xi32, #tpu.memory_space<hbm>>
      tpu.enqueue_dma source(%dma_start3A_66 : memref<2x128xi32, #tpu.memory_space<hbm>>) target(%arg7 : memref<2x128xi32, #tpu.memory_space<vmem>>) target_semaphore(%run_scoped3A : memref<!tpu.dma_semaphore, #tpu.memory_space<semaphore_mem>>)
      %dma_wait3A_67 = arith.constant 0 : i32
      %dma_wait3A_68 = tpu.memref_slice %arg4[%mul3A_27, %dma_wait3A_67] : memref<5120x128xi32, #tpu.memory_space<hbm>> -> memref<2x128xi32, #tpu.memory_space<hbm>>
      %dma_wait3A_69 = arith.constant 0 : i32
      %dma_wait3A_70 = tpu.memref_slice %arg4[%mul3A_27, %dma_wait3A_69] : memref<5120x128xi32, #tpu.memory_space<hbm>> -> memref<2x128xi32, #tpu.memory_space<hbm>>
      tpu.wait_dma2 semaphore(%run_scoped3A : memref<!tpu.dma_semaphore, #tpu.memory_space<semaphore_mem>>) src(%dma_wait3A_70 : memref<2x128xi32, #tpu.memory_space<hbm>>) dst(%arg7 : memref<2x128xi32, #tpu.memory_space<vmem>>)
      tpu.yield
    }) : () -> ()
    %dma_start3A_28 = arith.constant 0 : i32
    %dma_start3A_29 = arith.constant 0 : i32
    %dma_start3A_30 = arith.constant 0 : i32
    %dma_start3A_31 = tpu.memref_slice %arg9[%dma_start3A_29, %dma_start3A_30] : memref<256x128xf32, #tpu.memory_space<vmem>> -> memref<128x128xf32, #tpu.memory_space<vmem>>
    %dma_start3A_32 = arith.constant 0 : i32
    %dma_start3A_33 = tpu.memref_slice %arg7[%dma_start3A_28, %dma_start3A_32] : memref<2x128xi32, #tpu.memory_space<vmem>> -> memref<1x128xi32, #tpu.memory_space<vmem>>
    %dma_start3A_34 = tpu.memref_squeeze %dma_start3A_33 : memref<1x128xi32, #tpu.memory_space<vmem>> -> memref<128xi32, #tpu.memory_space<vmem>>
    %dma_start3A_35 = arith.constant 0 : i32
    %dma_start3A_36 = arith.constant 0 : i32
    %dma_start3A_37 = tpu.memref_slice %arg2[%dma_start3A_35, %dma_start3A_36] : memref<10000x128xf32, #tpu.memory_space<hbm>> -> memref<10000x128xf32, #tpu.memory_space<hbm>>
    tpu.enqueue_indirect_dma source(%dma_start3A_37 : memref<10000x128xf32, #tpu.memory_space<hbm>>) target(%dma_start3A_31 : memref<128x128xf32, #tpu.memory_space<vmem>>) offsets(%dma_start3A_34 : memref<128xi32, #tpu.memory_space<vmem>>) semaphore(%arg11 : memref<!tpu.dma_semaphore, #tpu.memory_space<semaphore_mem>>)
    %dma_start3A_38 = arith.constant 1 : i32
    %dma_start3A_39 = arith.constant 128 : i32
    %dma_start3A_40 = arith.constant 0 : i32
    %dma_start3A_41 = tpu.memref_slice %arg9[%dma_start3A_39, %dma_start3A_40] : memref<256x128xf32, #tpu.memory_space<vmem>> -> memref<128x128xf32, #tpu.memory_space<vmem>>
    %dma_start3A_42 = arith.constant 0 : i32
    %dma_start3A_43 = tpu.memref_slice %arg7[%dma_start3A_38, %dma_start3A_42] : memref<2x128xi32, #tpu.memory_space<vmem>> -> memref<1x128xi32, #tpu.memory_space<vmem>>
    %dma_start3A_44 = tpu.memref_squeeze %dma_start3A_43 : memref<1x128xi32, #tpu.memory_space<vmem>> -> memref<128xi32, #tpu.memory_space<vmem>>
    %dma_start3A_45 = arith.constant 0 : i32
    %dma_start3A_46 = arith.constant 0 : i32
    %dma_start3A_47 = tpu.memref_slice %arg3[%dma_start3A_45, %dma_start3A_46] : memref<10000x128xf32, #tpu.memory_space<hbm>> -> memref<10000x128xf32, #tpu.memory_space<hbm>>
    tpu.enqueue_indirect_dma source(%dma_start3A_47 : memref<10000x128xf32, #tpu.memory_space<hbm>>) target(%dma_start3A_41 : memref<128x128xf32, #tpu.memory_space<vmem>>) offsets(%dma_start3A_44 : memref<128xi32, #tpu.memory_space<vmem>>) semaphore(%arg11 : memref<!tpu.dma_semaphore, #tpu.memory_space<semaphore_mem>>)
    %scan3A = arith.constant 0 : i32
    %scan3A_48 = arith.constant 40 : i32
    %scan3A_49 = arith.addi %scan3A, %scan3A_48 : i32
    %scan3A_50 = arith.constant 1 : i32
    scf.for %scan3A_63 = %scan3A to %scan3A_49 step %scan3A_50  : i32 {
      %mul3A_64 = arith.constant 1 : i32
      %mul3A_65 = arith.muli %scan3A_63, %mul3A_64 : i32
      %add3A_66 = arith.constant 0 : i32
      %add3A_67 = arith.addi %add3A_66, %mul3A_65 : i32
      %mul3A_68 = arith.constant 2 : i32
      %mul3A_69 = arith.muli %add3A_67, %mul3A_68 : i32
      %add3A_70 = arith.constant 0 : i32
      %add3A_71 = arith.addi %mul3A_69, %add3A_70 : i32
      %mul3A_72 = arith.constant 32 : i32
      %mul3A_73 = arith.muli %add3A_71, %mul3A_72 : i32
      %add3A_74 = arith.addi %mul3A_73, %add3A : i32
      %dma_wait3A_75 = arith.constant 0 : i32
      %dma_wait3A_76 = arith.constant 0 : i32
      %dma_wait3A_77 = arith.constant 0 : i32
      %dma_wait3A_78 = tpu.memref_slice %arg8[%dma_wait3A_76, %dma_wait3A_77] : memref<256x128xf32, #tpu.memory_space<vmem>> -> memref<128x128xf32, #tpu.memory_space<vmem>>
      %dma_wait3A_79 = arith.constant 0 : i32
      %dma_wait3A_80 = tpu.memref_slice %arg6[%dma_wait3A_75, %dma_wait3A_79] : memref<2x128xi32, #tpu.memory_space<vmem>> -> memref<1x128xi32, #tpu.memory_space<vmem>>
      %dma_wait3A_81 = tpu.memref_squeeze %dma_wait3A_80 : memref<1x128xi32, #tpu.memory_space<vmem>> -> memref<128xi32, #tpu.memory_space<vmem>>
      %dma_wait3A_82 = arith.constant 0 : i32
      %dma_wait3A_83 = arith.constant 0 : i32
      %dma_wait3A_84 = tpu.memref_slice %arg2[%dma_wait3A_82, %dma_wait3A_83] : memref<10000x128xf32, #tpu.memory_space<hbm>> -> memref<10000x128xf32, #tpu.memory_space<hbm>>
      tpu.wait_indirect_dma semaphore(%arg10 : memref<!tpu.dma_semaphore, #tpu.memory_space<semaphore_mem>>) src(%dma_wait3A_84 : memref<10000x128xf32, #tpu.memory_space<hbm>>) dst(%dma_wait3A_78 : memref<128x128xf32, #tpu.memory_space<vmem>>)
      %dma_wait3A_85 = arith.constant 1 : i32
      %dma_wait3A_86 = arith.constant 128 : i32
      %dma_wait3A_87 = arith.constant 0 : i32
      %dma_wait3A_88 = tpu.memref_slice %arg8[%dma_wait3A_86, %dma_wait3A_87] : memref<256x128xf32, #tpu.memory_space<vmem>> -> memref<128x128xf32, #tpu.memory_space<vmem>>
      %dma_wait3A_89 = arith.constant 0 : i32
      %dma_wait3A_90 = tpu.memref_slice %arg6[%dma_wait3A_85, %dma_wait3A_89] : memref<2x128xi32, #tpu.memory_space<vmem>> -> memref<1x128xi32, #tpu.memory_space<vmem>>
      %dma_wait3A_91 = tpu.memref_squeeze %dma_wait3A_90 : memref<1x128xi32, #tpu.memory_space<vmem>> -> memref<128xi32, #tpu.memory_space<vmem>>
      %dma_wait3A_92 = arith.constant 0 : i32
      %dma_wait3A_93 = arith.constant 0 : i32
      %dma_wait3A_94 = tpu.memref_slice %arg3[%dma_wait3A_92, %dma_wait3A_93] : memref<10000x128xf32, #tpu.memory_space<hbm>> -> memref<10000x128xf32, #tpu.memory_space<hbm>>
      tpu.wait_indirect_dma semaphore(%arg10 : memref<!tpu.dma_semaphore, #tpu.memory_space<semaphore_mem>>) src(%dma_wait3A_94 : memref<10000x128xf32, #tpu.memory_space<hbm>>) dst(%dma_wait3A_88 : memref<128x128xf32, #tpu.memory_space<vmem>>)
      %mul3A_95 = arith.constant 256 : i32
      %mul3A_96 = arith.muli %add3A_74, %mul3A_95 : i32
      %dma_start3A_97 = arith.constant 0 : i32
      %dma_start3A_98 = tpu.memref_slice %arg5[%mul3A_96, %dma_start3A_97] : memref<655360x128xf32, #tpu.memory_space<hbm>> -> memref<256x128xf32, #tpu.memory_space<hbm>>
      %dma_start3A_99 = arith.constant 0 : i32
      %dma_start3A_100 = tpu.memref_slice %arg5[%mul3A_96, %dma_start3A_99] : memref<655360x128xf32, #tpu.memory_space<hbm>> -> memref<256x128xf32, #tpu.memory_space<hbm>>
      tpu.enqueue_dma source(%arg8 : memref<256x128xf32, #tpu.memory_space<vmem>>) target(%dma_start3A_100 : memref<256x128xf32, #tpu.memory_space<hbm>>) target_semaphore(%arg12 : memref<!tpu.dma_semaphore, #tpu.memory_space<semaphore_mem>>)
      %add3A_101 = arith.constant 2 : i32
      %add3A_102 = arith.addi %add3A_71, %add3A_101 : i32
      %lt3A = arith.constant 80 : i32
      %lt3A_103 = arith.cmpi slt, %add3A_102, %lt3A : i32
      %convert_element_type3A = arith.extui %lt3A_103 : i1 to i32
      %cond3A = arith.constant 0 : i32
      %cond3A_104 = arith.cmpi ne, %convert_element_type3A, %cond3A : i32
      scf.if %cond3A_104 {
        %mul3A_145 = arith.constant 256 : i32
        %mul3A_146 = arith.muli %add3A_74, %mul3A_145 : i32
        %dma_wait3A_147 = arith.constant 0 : i32
        %dma_wait3A_148 = tpu.memref_slice %arg5[%mul3A_146, %dma_wait3A_147] : memref<655360x128xf32, #tpu.memory_space<hbm>> -> memref<256x128xf32, #tpu.memory_space<hbm>>
        %dma_wait3A_149 = arith.constant 0 : i32
        %dma_wait3A_150 = tpu.memref_slice %arg5[%mul3A_146, %dma_wait3A_149] : memref<655360x128xf32, #tpu.memory_space<hbm>> -> memref<256x128xf32, #tpu.memory_space<hbm>>
        tpu.wait_dma2 semaphore(%arg12 : memref<!tpu.dma_semaphore, #tpu.memory_space<semaphore_mem>>) src(%arg8 : memref<256x128xf32, #tpu.memory_space<vmem>>) dst(%dma_wait3A_150 : memref<256x128xf32, #tpu.memory_space<hbm>>)
        %add3A_151 = arith.constant 2 : i32
        %add3A_152 = arith.addi %add3A_71, %add3A_151 : i32
        %mul3A_153 = arith.constant 32 : i32
        %mul3A_154 = arith.muli %add3A_152, %mul3A_153 : i32
        %add3A_155 = arith.addi %mul3A_154, %add3A : i32
        %mul3A_156 = arith.constant 2 : i32
        %mul3A_157 = arith.muli %add3A_155, %mul3A_156 : i32
        "tpu.region"() ({
          %run_scoped3A = tpu.sem_alloc : memref<!tpu.dma_semaphore, #tpu.memory_space<semaphore_mem>>
          %dma_start3A_178 = arith.constant 0 : i32
          %dma_start3A_179 = tpu.memref_slice %arg4[%mul3A_157, %dma_start3A_178] : memref<5120x128xi32, #tpu.memory_space<hbm>> -> memref<2x128xi32, #tpu.memory_space<hbm>>
          %dma_start3A_180 = arith.constant 0 : i32
          %dma_start3A_181 = tpu.memref_slice %arg4[%mul3A_157, %dma_start3A_180] : memref<5120x128xi32, #tpu.memory_space<hbm>> -> memref<2x128xi32, #tpu.memory_space<hbm>>
          tpu.enqueue_dma source(%dma_start3A_181 : memref<2x128xi32, #tpu.memory_space<hbm>>) target(%arg6 : memref<2x128xi32, #tpu.memory_space<vmem>>) target_semaphore(%run_scoped3A : memref<!tpu.dma_semaphore, #tpu.memory_space<semaphore_mem>>)
          %dma_wait3A_182 = arith.constant 0 : i32
          %dma_wait3A_183 = tpu.memref_slice %arg4[%mul3A_157, %dma_wait3A_182] : memref<5120x128xi32, #tpu.memory_space<hbm>> -> memref<2x128xi32, #tpu.memory_space<hbm>>
          %dma_wait3A_184 = arith.constant 0 : i32
          %dma_wait3A_185 = tpu.memref_slice %arg4[%mul3A_157, %dma_wait3A_184] : memref<5120x128xi32, #tpu.memory_space<hbm>> -> memref<2x128xi32, #tpu.memory_space<hbm>>
          tpu.wait_dma2 semaphore(%run_scoped3A : memref<!tpu.dma_semaphore, #tpu.memory_space<semaphore_mem>>) src(%dma_wait3A_185 : memref<2x128xi32, #tpu.memory_space<hbm>>) dst(%arg6 : memref<2x128xi32, #tpu.memory_space<vmem>>)
          tpu.yield
        }) : () -> ()
        %dma_start3A_158 = arith.constant 0 : i32
        %dma_start3A_159 = arith.constant 0 : i32
        %dma_start3A_160 = arith.constant 0 : i32
        %dma_start3A_161 = tpu.memref_slice %arg8[%dma_start3A_159, %dma_start3A_160] : memref<256x128xf32, #tpu.memory_space<vmem>> -> memref<128x128xf32, #tpu.memory_space<vmem>>
        %dma_start3A_162 = arith.constant 0 : i32
        %dma_start3A_163 = tpu.memref_slice %arg6[%dma_start3A_158, %dma_start3A_162] : memref<2x128xi32, #tpu.memory_space<vmem>> -> memref<1x128xi32, #tpu.memory_space<vmem>>
        %dma_start3A_164 = tpu.memref_squeeze %dma_start3A_163 : memref<1x128xi32, #tpu.memory_space<vmem>> -> memref<128xi32, #tpu.memory_space<vmem>>
        %dma_start3A_165 = arith.constant 0 : i32
        %dma_start3A_166 = arith.constant 0 : i32
        %dma_start3A_167 = tpu.memref_slice %arg2[%dma_start3A_165, %dma_start3A_166] : memref<10000x128xf32, #tpu.memory_space<hbm>> -> memref<10000x128xf32, #tpu.memory_space<hbm>>
        tpu.enqueue_indirect_dma source(%dma_start3A_167 : memref<10000x128xf32, #tpu.memory_space<hbm>>) target(%dma_start3A_161 : memref<128x128xf32, #tpu.memory_space<vmem>>) offsets(%dma_start3A_164 : memref<128xi32, #tpu.memory_space<vmem>>) semaphore(%arg10 : memref<!tpu.dma_semaphore, #tpu.memory_space<semaphore_mem>>)
        %dma_start3A_168 = arith.constant 1 : i32
        %dma_start3A_169 = arith.constant 128 : i32
        %dma_start3A_170 = arith.constant 0 : i32
        %dma_start3A_171 = tpu.memref_slice %arg8[%dma_start3A_169, %dma_start3A_170] : memref<256x128xf32, #tpu.memory_space<vmem>> -> memref<128x128xf32, #tpu.memory_space<vmem>>
        %dma_start3A_172 = arith.constant 0 : i32
        %dma_start3A_173 = tpu.memref_slice %arg6[%dma_start3A_168, %dma_start3A_172] : memref<2x128xi32, #tpu.memory_space<vmem>> -> memref<1x128xi32, #tpu.memory_space<vmem>>
        %dma_start3A_174 = tpu.memref_squeeze %dma_start3A_173 : memref<1x128xi32, #tpu.memory_space<vmem>> -> memref<128xi32, #tpu.memory_space<vmem>>
        %dma_start3A_175 = arith.constant 0 : i32
        %dma_start3A_176 = arith.constant 0 : i32
        %dma_start3A_177 = tpu.memref_slice %arg3[%dma_start3A_175, %dma_start3A_176] : memref<10000x128xf32, #tpu.memory_space<hbm>> -> memref<10000x128xf32, #tpu.memory_space<hbm>>
        tpu.enqueue_indirect_dma source(%dma_start3A_177 : memref<10000x128xf32, #tpu.memory_space<hbm>>) target(%dma_start3A_171 : memref<128x128xf32, #tpu.memory_space<vmem>>) offsets(%dma_start3A_174 : memref<128xi32, #tpu.memory_space<vmem>>) semaphore(%arg10 : memref<!tpu.dma_semaphore, #tpu.memory_space<semaphore_mem>>)
      } else {
      }
      %mul3A_105 = arith.constant 2 : i32
      %mul3A_106 = arith.muli %add3A_67, %mul3A_105 : i32
      %add3A_107 = arith.constant 1 : i32
      %add3A_108 = arith.addi %mul3A_106, %add3A_107 : i32
      %mul3A_109 = arith.constant 32 : i32
      %mul3A_110 = arith.muli %add3A_108, %mul3A_109 : i32
      %add3A_111 = arith.addi %mul3A_110, %add3A : i32
      %dma_wait3A_112 = arith.constant 0 : i32
      %dma_wait3A_113 = arith.constant 0 : i32
      %dma_wait3A_114 = arith.constant 0 : i32
      %dma_wait3A_115 = tpu.memref_slice %arg9[%dma_wait3A_113, %dma_wait3A_114] : memref<256x128xf32, #tpu.memory_space<vmem>> -> memref<128x128xf32, #tpu.memory_space<vmem>>
      %dma_wait3A_116 = arith.constant 0 : i32
      %dma_wait3A_117 = tpu.memref_slice %arg7[%dma_wait3A_112, %dma_wait3A_116] : memref<2x128xi32, #tpu.memory_space<vmem>> -> memref<1x128xi32, #tpu.memory_space<vmem>>
      %dma_wait3A_118 = tpu.memref_squeeze %dma_wait3A_117 : memref<1x128xi32, #tpu.memory_space<vmem>> -> memref<128xi32, #tpu.memory_space<vmem>>
      %dma_wait3A_119 = arith.constant 0 : i32
      %dma_wait3A_120 = arith.constant 0 : i32
      %dma_wait3A_121 = tpu.memref_slice %arg2[%dma_wait3A_119, %dma_wait3A_120] : memref<10000x128xf32, #tpu.memory_space<hbm>> -> memref<10000x128xf32, #tpu.memory_space<hbm>>
      tpu.wait_indirect_dma semaphore(%arg11 : memref<!tpu.dma_semaphore, #tpu.memory_space<semaphore_mem>>) src(%dma_wait3A_121 : memref<10000x128xf32, #tpu.memory_space<hbm>>) dst(%dma_wait3A_115 : memref<128x128xf32, #tpu.memory_space<vmem>>)
      %dma_wait3A_122 = arith.constant 1 : i32
      %dma_wait3A_123 = arith.constant 128 : i32
      %dma_wait3A_124 = arith.constant 0 : i32
      %dma_wait3A_125 = tpu.memref_slice %arg9[%dma_wait3A_123, %dma_wait3A_124] : memref<256x128xf32, #tpu.memory_space<vmem>> -> memref<128x128xf32, #tpu.memory_space<vmem>>
      %dma_wait3A_126 = arith.constant 0 : i32
      %dma_wait3A_127 = tpu.memref_slice %arg7[%dma_wait3A_122, %dma_wait3A_126] : memref<2x128xi32, #tpu.memory_space<vmem>> -> memref<1x128xi32, #tpu.memory_space<vmem>>
      %dma_wait3A_128 = tpu.memref_squeeze %dma_wait3A_127 : memref<1x128xi32, #tpu.memory_space<vmem>> -> memref<128xi32, #tpu.memory_space<vmem>>
      %dma_wait3A_129 = arith.constant 0 : i32
      %dma_wait3A_130 = arith.constant 0 : i32
      %dma_wait3A_131 = tpu.memref_slice %arg3[%dma_wait3A_129, %dma_wait3A_130] : memref<10000x128xf32, #tpu.memory_space<hbm>> -> memref<10000x128xf32, #tpu.memory_space<hbm>>
      tpu.wait_indirect_dma semaphore(%arg11 : memref<!tpu.dma_semaphore, #tpu.memory_space<semaphore_mem>>) src(%dma_wait3A_131 : memref<10000x128xf32, #tpu.memory_space<hbm>>) dst(%dma_wait3A_125 : memref<128x128xf32, #tpu.memory_space<vmem>>)
      %mul3A_132 = arith.constant 256 : i32
      %mul3A_133 = arith.muli %add3A_111, %mul3A_132 : i32
      %dma_start3A_134 = arith.constant 0 : i32
      %dma_start3A_135 = tpu.memref_slice %arg5[%mul3A_133, %dma_start3A_134] : memref<655360x128xf32, #tpu.memory_space<hbm>> -> memref<256x128xf32, #tpu.memory_space<hbm>>
      %dma_start3A_136 = arith.constant 0 : i32
      %dma_start3A_137 = tpu.memref_slice %arg5[%mul3A_133, %dma_start3A_136] : memref<655360x128xf32, #tpu.memory_space<hbm>> -> memref<256x128xf32, #tpu.memory_space<hbm>>
      tpu.enqueue_dma source(%arg9 : memref<256x128xf32, #tpu.memory_space<vmem>>) target(%dma_start3A_137 : memref<256x128xf32, #tpu.memory_space<hbm>>) target_semaphore(%arg13 : memref<!tpu.dma_semaphore, #tpu.memory_space<semaphore_mem>>)
      %add3A_138 = arith.constant 2 : i32
      %add3A_139 = arith.addi %add3A_108, %add3A_138 : i32
      %lt3A_140 = arith.constant 80 : i32
      %lt3A_141 = arith.cmpi slt, %add3A_139, %lt3A_140 : i32
      %convert_element_type3A_142 = arith.extui %lt3A_141 : i1 to i32
      %cond3A_143 = arith.constant 0 : i32
      %cond3A_144 = arith.cmpi ne, %convert_element_type3A_142, %cond3A_143 : i32
      scf.if %cond3A_144 {
        %mul3A_145 = arith.constant 256 : i32
        %mul3A_146 = arith.muli %add3A_111, %mul3A_145 : i32
        %dma_wait3A_147 = arith.constant 0 : i32
        %dma_wait3A_148 = tpu.memref_slice %arg5[%mul3A_146, %dma_wait3A_147] : memref<655360x128xf32, #tpu.memory_space<hbm>> -> memref<256x128xf32, #tpu.memory_space<hbm>>
        %dma_wait3A_149 = arith.constant 0 : i32
        %dma_wait3A_150 = tpu.memref_slice %arg5[%mul3A_146, %dma_wait3A_149] : memref<655360x128xf32, #tpu.memory_space<hbm>> -> memref<256x128xf32, #tpu.memory_space<hbm>>
        tpu.wait_dma2 semaphore(%arg13 : memref<!tpu.dma_semaphore, #tpu.memory_space<semaphore_mem>>) src(%arg9 : memref<256x128xf32, #tpu.memory_space<vmem>>) dst(%dma_wait3A_150 : memref<256x128xf32, #tpu.memory_space<hbm>>)
        %add3A_151 = arith.constant 2 : i32
        %add3A_152 = arith.addi %add3A_108, %add3A_151 : i32
        %mul3A_153 = arith.constant 32 : i32
        %mul3A_154 = arith.muli %add3A_152, %mul3A_153 : i32
        %add3A_155 = arith.addi %mul3A_154, %add3A : i32
        %mul3A_156 = arith.constant 2 : i32
        %mul3A_157 = arith.muli %add3A_155, %mul3A_156 : i32
        "tpu.region"() ({
          %run_scoped3A = tpu.sem_alloc : memref<!tpu.dma_semaphore, #tpu.memory_space<semaphore_mem>>
          %dma_start3A_178 = arith.constant 0 : i32
          %dma_start3A_179 = tpu.memref_slice %arg4[%mul3A_157, %dma_start3A_178] : memref<5120x128xi32, #tpu.memory_space<hbm>> -> memref<2x128xi32, #tpu.memory_space<hbm>>
          %dma_start3A_180 = arith.constant 0 : i32
          %dma_start3A_181 = tpu.memref_slice %arg4[%mul3A_157, %dma_start3A_180] : memref<5120x128xi32, #tpu.memory_space<hbm>> -> memref<2x128xi32, #tpu.memory_space<hbm>>
          tpu.enqueue_dma source(%dma_start3A_181 : memref<2x128xi32, #tpu.memory_space<hbm>>) target(%arg7 : memref<2x128xi32, #tpu.memory_space<vmem>>) target_semaphore(%run_scoped3A : memref<!tpu.dma_semaphore, #tpu.memory_space<semaphore_mem>>)
          %dma_wait3A_182 = arith.constant 0 : i32
          %dma_wait3A_183 = tpu.memref_slice %arg4[%mul3A_157, %dma_wait3A_182] : memref<5120x128xi32, #tpu.memory_space<hbm>> -> memref<2x128xi32, #tpu.memory_space<hbm>>
          %dma_wait3A_184 = arith.constant 0 : i32
          %dma_wait3A_185 = tpu.memref_slice %arg4[%mul3A_157, %dma_wait3A_184] : memref<5120x128xi32, #tpu.memory_space<hbm>> -> memref<2x128xi32, #tpu.memory_space<hbm>>
          tpu.wait_dma2 semaphore(%run_scoped3A : memref<!tpu.dma_semaphore, #tpu.memory_space<semaphore_mem>>) src(%dma_wait3A_185 : memref<2x128xi32, #tpu.memory_space<hbm>>) dst(%arg7 : memref<2x128xi32, #tpu.memory_space<vmem>>)
          tpu.yield
        }) : () -> ()
        %dma_start3A_158 = arith.constant 0 : i32
        %dma_start3A_159 = arith.constant 0 : i32
        %dma_start3A_160 = arith.constant 0 : i32
        %dma_start3A_161 = tpu.memref_slice %arg9[%dma_start3A_159, %dma_start3A_160] : memref<256x128xf32, #tpu.memory_space<vmem>> -> memref<128x128xf32, #tpu.memory_space<vmem>>
        %dma_start3A_162 = arith.constant 0 : i32
        %dma_start3A_163 = tpu.memref_slice %arg7[%dma_start3A_158, %dma_start3A_162] : memref<2x128xi32, #tpu.memory_space<vmem>> -> memref<1x128xi32, #tpu.memory_space<vmem>>
        %dma_start3A_164 = tpu.memref_squeeze %dma_start3A_163 : memref<1x128xi32, #tpu.memory_space<vmem>> -> memref<128xi32, #tpu.memory_space<vmem>>
        %dma_start3A_165 = arith.constant 0 : i32
        %dma_start3A_166 = arith.constant 0 : i32
        %dma_start3A_167 = tpu.memref_slice %arg2[%dma_start3A_165, %dma_start3A_166] : memref<10000x128xf32, #tpu.memory_space<hbm>> -> memref<10000x128xf32, #tpu.memory_space<hbm>>
        tpu.enqueue_indirect_dma source(%dma_start3A_167 : memref<10000x128xf32, #tpu.memory_space<hbm>>) target(%dma_start3A_161 : memref<128x128xf32, #tpu.memory_space<vmem>>) offsets(%dma_start3A_164 : memref<128xi32, #tpu.memory_space<vmem>>) semaphore(%arg11 : memref<!tpu.dma_semaphore, #tpu.memory_space<semaphore_mem>>)
        %dma_start3A_168 = arith.constant 1 : i32
        %dma_start3A_169 = arith.constant 128 : i32
        %dma_start3A_170 = arith.constant 0 : i32
        %dma_start3A_171 = tpu.memref_slice %arg9[%dma_start3A_169, %dma_start3A_170] : memref<256x128xf32, #tpu.memory_space<vmem>> -> memref<128x128xf32, #tpu.memory_space<vmem>>
        %dma_start3A_172 = arith.constant 0 : i32
        %dma_start3A_173 = tpu.memref_slice %arg7[%dma_start3A_168, %dma_start3A_172] : memref<2x128xi32, #tpu.memory_space<vmem>> -> memref<1x128xi32, #tpu.memory_space<vmem>>
        %dma_start3A_174 = tpu.memref_squeeze %dma_start3A_173 : memref<1x128xi32, #tpu.memory_space<vmem>> -> memref<128xi32, #tpu.memory_space<vmem>>
        %dma_start3A_175 = arith.constant 0 : i32
        %dma_start3A_176 = arith.constant 0 : i32
        %dma_start3A_177 = tpu.memref_slice %arg3[%dma_start3A_175, %dma_start3A_176] : memref<10000x128xf32, #tpu.memory_space<hbm>> -> memref<10000x128xf32, #tpu.memory_space<hbm>>
        tpu.enqueue_indirect_dma source(%dma_start3A_177 : memref<10000x128xf32, #tpu.memory_space<hbm>>) target(%dma_start3A_171 : memref<128x128xf32, #tpu.memory_space<vmem>>) offsets(%dma_start3A_174 : memref<128xi32, #tpu.memory_space<vmem>>) semaphore(%arg11 : memref<!tpu.dma_semaphore, #tpu.memory_space<semaphore_mem>>)
      } else {
      }
    }
    %scan3A_51 = arith.constant 40 : i32
    %dma_wait3A = arith.constant 0 : i32
    %dma_wait3A_52 = arith.constant 0 : i32
    %dma_wait3A_53 = tpu.memref_slice %arg5[%dma_wait3A, %dma_wait3A_52] : memref<655360x128xf32, #tpu.memory_space<hbm>> -> memref<256x128xf32, #tpu.memory_space<hbm>>
    %dma_wait3A_54 = arith.constant 0 : i32
    %dma_wait3A_55 = arith.constant 0 : i32
    %dma_wait3A_56 = tpu.memref_slice %arg5[%dma_wait3A_54, %dma_wait3A_55] : memref<655360x128xf32, #tpu.memory_space<hbm>> -> memref<256x128xf32, #tpu.memory_space<hbm>>
    tpu.wait_dma2 semaphore(%arg12 : memref<!tpu.dma_semaphore, #tpu.memory_space<semaphore_mem>>) src(%arg8 : memref<256x128xf32, #tpu.memory_space<vmem>>) dst(%dma_wait3A_56 : memref<256x128xf32, #tpu.memory_space<hbm>>)
    %dma_wait3A_57 = arith.constant 0 : i32
    %dma_wait3A_58 = arith.constant 0 : i32
    %dma_wait3A_59 = tpu.memref_slice %arg5[%dma_wait3A_57, %dma_wait3A_58] : memref<655360x128xf32, #tpu.memory_space<hbm>> -> memref<256x128xf32, #tpu.memory_space<hbm>>
    %dma_wait3A_60 = arith.constant 0 : i32
    %dma_wait3A_61 = arith.constant 0 : i32
    %dma_wait3A_62 = tpu.memref_slice %arg5[%dma_wait3A_60, %dma_wait3A_61] : memref<655360x128xf32, #tpu.memory_space<hbm>> -> memref<256x128xf32, #tpu.memory_space<hbm>>
    tpu.wait_dma2 semaphore(%arg13 : memref<!tpu.dma_semaphore, #tpu.memory_space<semaphore_mem>>) src(%arg9 : memref<256x128xf32, #tpu.memory_space<vmem>>) dst(%dma_wait3A_62 : memref<256x128xf32, #tpu.memory_space<hbm>>)
    return
  }
}

#map = affine_map<(d0, d1) -> (0, 0)>
#map1 = affine_map<(d0, d1) -> (0, 0, 0)>
module attributes {stable_mosaic.version = 14 : i64} {
  func.func @k(%arg0: i32, %arg1: i32, %arg2: memref<10000x128xf32, #tpu.memory_space<hbm>>, %arg3: memref<5120x128xi32, #tpu.memory_space<hbm>>, %arg4: memref<640x128xf32, #tpu.memory_space<hbm>>, %arg5: memref<2x10240x128xf32, #tpu.memory_space<hbm>>, %arg6: memref<2x128xi32, #tpu.memory_space<vmem>>, %arg7: memref<2x128xi32, #tpu.memory_space<vmem>>, %arg8: memref<128x128xf32, #tpu.memory_space<vmem>>, %arg9: memref<128x128xf32, #tpu.memory_space<vmem>>, %arg10: memref<10240x128xf32, #tpu.memory_space<vmem_shared>>, %arg11: memref<!tpu.dma_semaphore, #tpu.memory_space<semaphore_mem>>, %arg12: memref<!tpu.dma_semaphore, #tpu.memory_space<semaphore_mem>>, %arg13: memref<!tpu.dma_semaphore, #tpu.memory_space<semaphore_mem>>, %arg14: memref<!tpu.dma_semaphore, #tpu.memory_space<semaphore_mem>>) attributes {dimension_semantics = [#tpu.dimension_semantics<core_parallel>, #tpu.dimension_semantics<subcore_parallel>], iteration_bounds = array<i64: 2, 16>, scalar_prefetch = 0 : i64, scratch_operands = 9 : i64, tpu.core_type = #tpu.core_type<sc_vector_subcore>, window_params = [{transform_indices = #map}, {transform_indices = #map}, {transform_indices = #map}, {transform_indices = #map1}]} {
    %mul3A = arith.constant 2 : i32
    %mul3A_0 = arith.muli %arg1, %mul3A : i32
    %add3A = arith.addi %mul3A_0, %arg0 : i32
    %mul3A_1 = arith.constant 640 : i32
    %mul3A_2 = arith.muli %arg1, %mul3A_1 : i32
    "tpu.region"() ({
      %run_scoped3A = tpu.sem_alloc : memref<!tpu.dma_semaphore, #tpu.memory_space<semaphore_mem>>
      %dma_start3A_42 = arith.constant 0 : i32
      %dma_start3A_43 = tpu.memref_slice %arg10[%mul3A_2, %dma_start3A_42] : memref<10240x128xf32, #tpu.memory_space<vmem_shared>> -> memref<640x128xf32, #tpu.memory_space<vmem_shared>>
      tpu.enqueue_dma source(%arg4 : memref<640x128xf32, #tpu.memory_space<hbm>>) target(%dma_start3A_43 : memref<640x128xf32, #tpu.memory_space<vmem_shared>>) target_semaphore(%run_scoped3A : memref<!tpu.dma_semaphore, #tpu.memory_space<semaphore_mem>>)
      %dma_wait3A_44 = arith.constant 0 : i32
      %dma_wait3A_45 = tpu.memref_slice %arg10[%mul3A_2, %dma_wait3A_44] : memref<10240x128xf32, #tpu.memory_space<vmem_shared>> -> memref<640x128xf32, #tpu.memory_space<vmem_shared>>
      tpu.wait_dma2 semaphore(%run_scoped3A : memref<!tpu.dma_semaphore, #tpu.memory_space<semaphore_mem>>) src(%arg4 : memref<640x128xf32, #tpu.memory_space<hbm>>) dst(%dma_wait3A_45 : memref<640x128xf32, #tpu.memory_space<vmem_shared>>)
      tpu.yield
    }) : () -> ()
    %barrier3A = arith.constant 0 : index
    tpu.barrier barrier_id(%barrier3A)
    %add3A_3 = arith.constant 0 : i32
    %add3A_4 = arith.addi %add3A_3, %add3A : i32
    %mul3A_5 = arith.constant 2 : i32
    %mul3A_6 = arith.muli %add3A_4, %mul3A_5 : i32
    "tpu.region"() ({
      %run_scoped3A = tpu.sem_alloc : memref<!tpu.dma_semaphore, #tpu.memory_space<semaphore_mem>>
      %dma_start3A_42 = arith.constant 0 : i32
      %dma_start3A_43 = tpu.memref_slice %arg3[%mul3A_6, %dma_start3A_42] : memref<5120x128xi32, #tpu.memory_space<hbm>> -> memref<2x128xi32, #tpu.memory_space<hbm>>
      %dma_start3A_44 = arith.constant 0 : i32
      %dma_start3A_45 = tpu.memref_slice %arg3[%mul3A_6, %dma_start3A_44] : memref<5120x128xi32, #tpu.memory_space<hbm>> -> memref<2x128xi32, #tpu.memory_space<hbm>>
      tpu.enqueue_dma source(%dma_start3A_45 : memref<2x128xi32, #tpu.memory_space<hbm>>) target(%arg6 : memref<2x128xi32, #tpu.memory_space<vmem>>) target_semaphore(%run_scoped3A : memref<!tpu.dma_semaphore, #tpu.memory_space<semaphore_mem>>)
      %dma_wait3A_46 = arith.constant 0 : i32
      %dma_wait3A_47 = tpu.memref_slice %arg3[%mul3A_6, %dma_wait3A_46] : memref<5120x128xi32, #tpu.memory_space<hbm>> -> memref<2x128xi32, #tpu.memory_space<hbm>>
      %dma_wait3A_48 = arith.constant 0 : i32
      %dma_wait3A_49 = tpu.memref_slice %arg3[%mul3A_6, %dma_wait3A_48] : memref<5120x128xi32, #tpu.memory_space<hbm>> -> memref<2x128xi32, #tpu.memory_space<hbm>>
      tpu.wait_dma2 semaphore(%run_scoped3A : memref<!tpu.dma_semaphore, #tpu.memory_space<semaphore_mem>>) src(%dma_wait3A_49 : memref<2x128xi32, #tpu.memory_space<hbm>>) dst(%arg6 : memref<2x128xi32, #tpu.memory_space<vmem>>)
      tpu.yield
    }) : () -> ()
    %dma_start3A = arith.constant 0 : i32
    %dma_start3A_7 = arith.constant 0 : i32
    %dma_start3A_8 = tpu.memref_slice %arg6[%dma_start3A, %dma_start3A_7] : memref<2x128xi32, #tpu.memory_space<vmem>> -> memref<1x128xi32, #tpu.memory_space<vmem>>
    %dma_start3A_9 = tpu.memref_squeeze %dma_start3A_8 : memref<1x128xi32, #tpu.memory_space<vmem>> -> memref<128xi32, #tpu.memory_space<vmem>>
    %dma_start3A_10 = arith.constant 0 : i32
    %dma_start3A_11 = arith.constant 0 : i32
    %dma_start3A_12 = tpu.memref_slice %arg2[%dma_start3A_10, %dma_start3A_11] : memref<10000x128xf32, #tpu.memory_space<hbm>> -> memref<10000x128xf32, #tpu.memory_space<hbm>>
    tpu.enqueue_indirect_dma source(%dma_start3A_12 : memref<10000x128xf32, #tpu.memory_space<hbm>>) target(%arg8 : memref<128x128xf32, #tpu.memory_space<vmem>>) offsets(%dma_start3A_9 : memref<128xi32, #tpu.memory_space<vmem>>) semaphore(%arg11 : memref<!tpu.dma_semaphore, #tpu.memory_space<semaphore_mem>>)
    %add3A_13 = arith.constant 32 : i32
    %add3A_14 = arith.addi %add3A_13, %add3A : i32
    %mul3A_15 = arith.constant 2 : i32
    %mul3A_16 = arith.muli %add3A_14, %mul3A_15 : i32
    "tpu.region"() ({
      %run_scoped3A = tpu.sem_alloc : memref<!tpu.dma_semaphore, #tpu.memory_space<semaphore_mem>>
      %dma_start3A_42 = arith.constant 0 : i32
      %dma_start3A_43 = tpu.memref_slice %arg3[%mul3A_16, %dma_start3A_42] : memref<5120x128xi32, #tpu.memory_space<hbm>> -> memref<2x128xi32, #tpu.memory_space<hbm>>
      %dma_start3A_44 = arith.constant 0 : i32
      %dma_start3A_45 = tpu.memref_slice %arg3[%mul3A_16, %dma_start3A_44] : memref<5120x128xi32, #tpu.memory_space<hbm>> -> memref<2x128xi32, #tpu.memory_space<hbm>>
      tpu.enqueue_dma source(%dma_start3A_45 : memref<2x128xi32, #tpu.memory_space<hbm>>) target(%arg7 : memref<2x128xi32, #tpu.memory_space<vmem>>) target_semaphore(%run_scoped3A : memref<!tpu.dma_semaphore, #tpu.memory_space<semaphore_mem>>)
      %dma_wait3A_46 = arith.constant 0 : i32
      %dma_wait3A_47 = tpu.memref_slice %arg3[%mul3A_16, %dma_wait3A_46] : memref<5120x128xi32, #tpu.memory_space<hbm>> -> memref<2x128xi32, #tpu.memory_space<hbm>>
      %dma_wait3A_48 = arith.constant 0 : i32
      %dma_wait3A_49 = tpu.memref_slice %arg3[%mul3A_16, %dma_wait3A_48] : memref<5120x128xi32, #tpu.memory_space<hbm>> -> memref<2x128xi32, #tpu.memory_space<hbm>>
      tpu.wait_dma2 semaphore(%run_scoped3A : memref<!tpu.dma_semaphore, #tpu.memory_space<semaphore_mem>>) src(%dma_wait3A_49 : memref<2x128xi32, #tpu.memory_space<hbm>>) dst(%arg7 : memref<2x128xi32, #tpu.memory_space<vmem>>)
      tpu.yield
    }) : () -> ()
    %dma_start3A_17 = arith.constant 0 : i32
    %dma_start3A_18 = arith.constant 0 : i32
    %dma_start3A_19 = tpu.memref_slice %arg7[%dma_start3A_17, %dma_start3A_18] : memref<2x128xi32, #tpu.memory_space<vmem>> -> memref<1x128xi32, #tpu.memory_space<vmem>>
    %dma_start3A_20 = tpu.memref_squeeze %dma_start3A_19 : memref<1x128xi32, #tpu.memory_space<vmem>> -> memref<128xi32, #tpu.memory_space<vmem>>
    %dma_start3A_21 = arith.constant 0 : i32
    %dma_start3A_22 = arith.constant 0 : i32
    %dma_start3A_23 = tpu.memref_slice %arg2[%dma_start3A_21, %dma_start3A_22] : memref<10000x128xf32, #tpu.memory_space<hbm>> -> memref<10000x128xf32, #tpu.memory_space<hbm>>
    tpu.enqueue_indirect_dma source(%dma_start3A_23 : memref<10000x128xf32, #tpu.memory_space<hbm>>) target(%arg9 : memref<128x128xf32, #tpu.memory_space<vmem>>) offsets(%dma_start3A_20 : memref<128xi32, #tpu.memory_space<vmem>>) semaphore(%arg12 : memref<!tpu.dma_semaphore, #tpu.memory_space<semaphore_mem>>)
    %scan3A = arith.constant 0 : i32
    %scan3A_24 = arith.constant 40 : i32
    %scan3A_25 = arith.addi %scan3A, %scan3A_24 : i32
    %scan3A_26 = arith.constant 1 : i32
    scf.for %scan3A_42 = %scan3A to %scan3A_25 step %scan3A_26  : i32 {
      %mul3A_43 = arith.constant 1 : i32
      %mul3A_44 = arith.muli %scan3A_42, %mul3A_43 : i32
      %add3A_45 = arith.constant 0 : i32
      %add3A_46 = arith.addi %add3A_45, %mul3A_44 : i32
      %mul3A_47 = arith.constant 2 : i32
      %mul3A_48 = arith.muli %add3A_46, %mul3A_47 : i32
      %add3A_49 = arith.constant 0 : i32
      %add3A_50 = arith.addi %mul3A_48, %add3A_49 : i32
      %dma_wait3A_51 = arith.constant 0 : i32
      %dma_wait3A_52 = arith.constant 0 : i32
      %dma_wait3A_53 = tpu.memref_slice %arg6[%dma_wait3A_51, %dma_wait3A_52] : memref<2x128xi32, #tpu.memory_space<vmem>> -> memref<1x128xi32, #tpu.memory_space<vmem>>
      %dma_wait3A_54 = tpu.memref_squeeze %dma_wait3A_53 : memref<1x128xi32, #tpu.memory_space<vmem>> -> memref<128xi32, #tpu.memory_space<vmem>>
      %dma_wait3A_55 = arith.constant 0 : i32
      %dma_wait3A_56 = arith.constant 0 : i32
      %dma_wait3A_57 = tpu.memref_slice %arg2[%dma_wait3A_55, %dma_wait3A_56] : memref<10000x128xf32, #tpu.memory_space<hbm>> -> memref<10000x128xf32, #tpu.memory_space<hbm>>
      tpu.wait_indirect_dma semaphore(%arg11 : memref<!tpu.dma_semaphore, #tpu.memory_space<semaphore_mem>>) src(%dma_wait3A_57 : memref<10000x128xf32, #tpu.memory_space<hbm>>) dst(%arg8 : memref<128x128xf32, #tpu.memory_space<vmem>>)
      %dma_start3A_58 = arith.constant 1 : i32
      %dma_start3A_59 = arith.constant 0 : i32
      %dma_start3A_60 = tpu.memref_slice %arg6[%dma_start3A_58, %dma_start3A_59] : memref<2x128xi32, #tpu.memory_space<vmem>> -> memref<1x128xi32, #tpu.memory_space<vmem>>
      %dma_start3A_61 = tpu.memref_squeeze %dma_start3A_60 : memref<1x128xi32, #tpu.memory_space<vmem>> -> memref<128xi32, #tpu.memory_space<vmem>>
      %dma_start3A_62 = arith.constant 0 : i32
      %dma_start3A_63 = arith.constant 0 : i32
      %dma_start3A_64 = tpu.memref_slice %arg10[%dma_start3A_62, %dma_start3A_63] : memref<10240x128xf32, #tpu.memory_space<vmem_shared>> -> memref<10240x128xf32, #tpu.memory_space<vmem_shared>>
      tpu.enqueue_indirect_dma source(%arg8 : memref<128x128xf32, #tpu.memory_space<vmem>>) target(%dma_start3A_64 : memref<10240x128xf32, #tpu.memory_space<vmem_shared>>) offsets(%dma_start3A_61 : memref<128xi32, #tpu.memory_space<vmem>>) semaphore(%arg13 : memref<!tpu.dma_semaphore, #tpu.memory_space<semaphore_mem>>) {add = true}
      %add3A_65 = arith.constant 2 : i32
      %add3A_66 = arith.addi %add3A_50, %add3A_65 : i32
      %lt3A = arith.constant 80 : i32
      %lt3A_67 = arith.cmpi slt, %add3A_66, %lt3A : i32
      %convert_element_type3A = arith.extui %lt3A_67 : i1 to i32
      %cond3A = arith.constant 0 : i32
      %cond3A_68 = arith.cmpi ne, %convert_element_type3A, %cond3A : i32
      scf.if %cond3A_68 {
        %dma_wait3A_94 = arith.constant 1 : i32
        %dma_wait3A_95 = arith.constant 0 : i32
        %dma_wait3A_96 = tpu.memref_slice %arg6[%dma_wait3A_94, %dma_wait3A_95] : memref<2x128xi32, #tpu.memory_space<vmem>> -> memref<1x128xi32, #tpu.memory_space<vmem>>
        %dma_wait3A_97 = tpu.memref_squeeze %dma_wait3A_96 : memref<1x128xi32, #tpu.memory_space<vmem>> -> memref<128xi32, #tpu.memory_space<vmem>>
        %dma_wait3A_98 = arith.constant 0 : i32
        %dma_wait3A_99 = arith.constant 0 : i32
        %dma_wait3A_100 = tpu.memref_slice %arg10[%dma_wait3A_98, %dma_wait3A_99] : memref<10240x128xf32, #tpu.memory_space<vmem_shared>> -> memref<10240x128xf32, #tpu.memory_space<vmem_shared>>
        tpu.wait_indirect_dma semaphore(%arg13 : memref<!tpu.dma_semaphore, #tpu.memory_space<semaphore_mem>>) src(%arg8 : memref<128x128xf32, #tpu.memory_space<vmem>>) dst(%dma_wait3A_100 : memref<10240x128xf32, #tpu.memory_space<vmem_shared>>)
        %add3A_101 = arith.constant 2 : i32
        %add3A_102 = arith.addi %add3A_50, %add3A_101 : i32
        %mul3A_103 = arith.constant 32 : i32
        %mul3A_104 = arith.muli %add3A_102, %mul3A_103 : i32
        %add3A_105 = arith.addi %mul3A_104, %add3A : i32
        %mul3A_106 = arith.constant 2 : i32
        %mul3A_107 = arith.muli %add3A_105, %mul3A_106 : i32
        "tpu.region"() ({
          %run_scoped3A = tpu.sem_alloc : memref<!tpu.dma_semaphore, #tpu.memory_space<semaphore_mem>>
          %dma_start3A_115 = arith.constant 0 : i32
          %dma_start3A_116 = tpu.memref_slice %arg3[%mul3A_107, %dma_start3A_115] : memref<5120x128xi32, #tpu.memory_space<hbm>> -> memref<2x128xi32, #tpu.memory_space<hbm>>
          %dma_start3A_117 = arith.constant 0 : i32
          %dma_start3A_118 = tpu.memref_slice %arg3[%mul3A_107, %dma_start3A_117] : memref<5120x128xi32, #tpu.memory_space<hbm>> -> memref<2x128xi32, #tpu.memory_space<hbm>>
          tpu.enqueue_dma source(%dma_start3A_118 : memref<2x128xi32, #tpu.memory_space<hbm>>) target(%arg6 : memref<2x128xi32, #tpu.memory_space<vmem>>) target_semaphore(%run_scoped3A : memref<!tpu.dma_semaphore, #tpu.memory_space<semaphore_mem>>)
          %dma_wait3A_119 = arith.constant 0 : i32
          %dma_wait3A_120 = tpu.memref_slice %arg3[%mul3A_107, %dma_wait3A_119] : memref<5120x128xi32, #tpu.memory_space<hbm>> -> memref<2x128xi32, #tpu.memory_space<hbm>>
          %dma_wait3A_121 = arith.constant 0 : i32
          %dma_wait3A_122 = tpu.memref_slice %arg3[%mul3A_107, %dma_wait3A_121] : memref<5120x128xi32, #tpu.memory_space<hbm>> -> memref<2x128xi32, #tpu.memory_space<hbm>>
          tpu.wait_dma2 semaphore(%run_scoped3A : memref<!tpu.dma_semaphore, #tpu.memory_space<semaphore_mem>>) src(%dma_wait3A_122 : memref<2x128xi32, #tpu.memory_space<hbm>>) dst(%arg6 : memref<2x128xi32, #tpu.memory_space<vmem>>)
          tpu.yield
        }) : () -> ()
        %dma_start3A_108 = arith.constant 0 : i32
        %dma_start3A_109 = arith.constant 0 : i32
        %dma_start3A_110 = tpu.memref_slice %arg6[%dma_start3A_108, %dma_start3A_109] : memref<2x128xi32, #tpu.memory_space<vmem>> -> memref<1x128xi32, #tpu.memory_space<vmem>>
        %dma_start3A_111 = tpu.memref_squeeze %dma_start3A_110 : memref<1x128xi32, #tpu.memory_space<vmem>> -> memref<128xi32, #tpu.memory_space<vmem>>
        %dma_start3A_112 = arith.constant 0 : i32
        %dma_start3A_113 = arith.constant 0 : i32
        %dma_start3A_114 = tpu.memref_slice %arg2[%dma_start3A_112, %dma_start3A_113] : memref<10000x128xf32, #tpu.memory_space<hbm>> -> memref<10000x128xf32, #tpu.memory_space<hbm>>
        tpu.enqueue_indirect_dma source(%dma_start3A_114 : memref<10000x128xf32, #tpu.memory_space<hbm>>) target(%arg8 : memref<128x128xf32, #tpu.memory_space<vmem>>) offsets(%dma_start3A_111 : memref<128xi32, #tpu.memory_space<vmem>>) semaphore(%arg11 : memref<!tpu.dma_semaphore, #tpu.memory_space<semaphore_mem>>)
      } else {
      }
      %mul3A_69 = arith.constant 2 : i32
      %mul3A_70 = arith.muli %add3A_46, %mul3A_69 : i32
      %add3A_71 = arith.constant 1 : i32
      %add3A_72 = arith.addi %mul3A_70, %add3A_71 : i32
      %dma_wait3A_73 = arith.constant 0 : i32
      %dma_wait3A_74 = arith.constant 0 : i32
      %dma_wait3A_75 = tpu.memref_slice %arg7[%dma_wait3A_73, %dma_wait3A_74] : memref<2x128xi32, #tpu.memory_space<vmem>> -> memref<1x128xi32, #tpu.memory_space<vmem>>
      %dma_wait3A_76 = tpu.memref_squeeze %dma_wait3A_75 : memref<1x128xi32, #tpu.memory_space<vmem>> -> memref<128xi32, #tpu.memory_space<vmem>>
      %dma_wait3A_77 = arith.constant 0 : i32
      %dma_wait3A_78 = arith.constant 0 : i32
      %dma_wait3A_79 = tpu.memref_slice %arg2[%dma_wait3A_77, %dma_wait3A_78] : memref<10000x128xf32, #tpu.memory_space<hbm>> -> memref<10000x128xf32, #tpu.memory_space<hbm>>
      tpu.wait_indirect_dma semaphore(%arg12 : memref<!tpu.dma_semaphore, #tpu.memory_space<semaphore_mem>>) src(%dma_wait3A_79 : memref<10000x128xf32, #tpu.memory_space<hbm>>) dst(%arg9 : memref<128x128xf32, #tpu.memory_space<vmem>>)
      %dma_start3A_80 = arith.constant 1 : i32
      %dma_start3A_81 = arith.constant 0 : i32
      %dma_start3A_82 = tpu.memref_slice %arg7[%dma_start3A_80, %dma_start3A_81] : memref<2x128xi32, #tpu.memory_space<vmem>> -> memref<1x128xi32, #tpu.memory_space<vmem>>
      %dma_start3A_83 = tpu.memref_squeeze %dma_start3A_82 : memref<1x128xi32, #tpu.memory_space<vmem>> -> memref<128xi32, #tpu.memory_space<vmem>>
      %dma_start3A_84 = arith.constant 0 : i32
      %dma_start3A_85 = arith.constant 0 : i32
      %dma_start3A_86 = tpu.memref_slice %arg10[%dma_start3A_84, %dma_start3A_85] : memref<10240x128xf32, #tpu.memory_space<vmem_shared>> -> memref<10240x128xf32, #tpu.memory_space<vmem_shared>>
      tpu.enqueue_indirect_dma source(%arg9 : memref<128x128xf32, #tpu.memory_space<vmem>>) target(%dma_start3A_86 : memref<10240x128xf32, #tpu.memory_space<vmem_shared>>) offsets(%dma_start3A_83 : memref<128xi32, #tpu.memory_space<vmem>>) semaphore(%arg14 : memref<!tpu.dma_semaphore, #tpu.memory_space<semaphore_mem>>) {add = true}
      %add3A_87 = arith.constant 2 : i32
      %add3A_88 = arith.addi %add3A_72, %add3A_87 : i32
      %lt3A_89 = arith.constant 80 : i32
      %lt3A_90 = arith.cmpi slt, %add3A_88, %lt3A_89 : i32
      %convert_element_type3A_91 = arith.extui %lt3A_90 : i1 to i32
      %cond3A_92 = arith.constant 0 : i32
      %cond3A_93 = arith.cmpi ne, %convert_element_type3A_91, %cond3A_92 : i32
      scf.if %cond3A_93 {
        %dma_wait3A_94 = arith.constant 1 : i32
        %dma_wait3A_95 = arith.constant 0 : i32
        %dma_wait3A_96 = tpu.memref_slice %arg7[%dma_wait3A_94, %dma_wait3A_95] : memref<2x128xi32, #tpu.memory_space<vmem>> -> memref<1x128xi32, #tpu.memory_space<vmem>>
        %dma_wait3A_97 = tpu.memref_squeeze %dma_wait3A_96 : memref<1x128xi32, #tpu.memory_space<vmem>> -> memref<128xi32, #tpu.memory_space<vmem>>
        %dma_wait3A_98 = arith.constant 0 : i32
        %dma_wait3A_99 = arith.constant 0 : i32
        %dma_wait3A_100 = tpu.memref_slice %arg10[%dma_wait3A_98, %dma_wait3A_99] : memref<10240x128xf32, #tpu.memory_space<vmem_shared>> -> memref<10240x128xf32, #tpu.memory_space<vmem_shared>>
        tpu.wait_indirect_dma semaphore(%arg14 : memref<!tpu.dma_semaphore, #tpu.memory_space<semaphore_mem>>) src(%arg9 : memref<128x128xf32, #tpu.memory_space<vmem>>) dst(%dma_wait3A_100 : memref<10240x128xf32, #tpu.memory_space<vmem_shared>>)
        %add3A_101 = arith.constant 2 : i32
        %add3A_102 = arith.addi %add3A_72, %add3A_101 : i32
        %mul3A_103 = arith.constant 32 : i32
        %mul3A_104 = arith.muli %add3A_102, %mul3A_103 : i32
        %add3A_105 = arith.addi %mul3A_104, %add3A : i32
        %mul3A_106 = arith.constant 2 : i32
        %mul3A_107 = arith.muli %add3A_105, %mul3A_106 : i32
        "tpu.region"() ({
          %run_scoped3A = tpu.sem_alloc : memref<!tpu.dma_semaphore, #tpu.memory_space<semaphore_mem>>
          %dma_start3A_115 = arith.constant 0 : i32
          %dma_start3A_116 = tpu.memref_slice %arg3[%mul3A_107, %dma_start3A_115] : memref<5120x128xi32, #tpu.memory_space<hbm>> -> memref<2x128xi32, #tpu.memory_space<hbm>>
          %dma_start3A_117 = arith.constant 0 : i32
          %dma_start3A_118 = tpu.memref_slice %arg3[%mul3A_107, %dma_start3A_117] : memref<5120x128xi32, #tpu.memory_space<hbm>> -> memref<2x128xi32, #tpu.memory_space<hbm>>
          tpu.enqueue_dma source(%dma_start3A_118 : memref<2x128xi32, #tpu.memory_space<hbm>>) target(%arg7 : memref<2x128xi32, #tpu.memory_space<vmem>>) target_semaphore(%run_scoped3A : memref<!tpu.dma_semaphore, #tpu.memory_space<semaphore_mem>>)
          %dma_wait3A_119 = arith.constant 0 : i32
          %dma_wait3A_120 = tpu.memref_slice %arg3[%mul3A_107, %dma_wait3A_119] : memref<5120x128xi32, #tpu.memory_space<hbm>> -> memref<2x128xi32, #tpu.memory_space<hbm>>
          %dma_wait3A_121 = arith.constant 0 : i32
          %dma_wait3A_122 = tpu.memref_slice %arg3[%mul3A_107, %dma_wait3A_121] : memref<5120x128xi32, #tpu.memory_space<hbm>> -> memref<2x128xi32, #tpu.memory_space<hbm>>
          tpu.wait_dma2 semaphore(%run_scoped3A : memref<!tpu.dma_semaphore, #tpu.memory_space<semaphore_mem>>) src(%dma_wait3A_122 : memref<2x128xi32, #tpu.memory_space<hbm>>) dst(%arg7 : memref<2x128xi32, #tpu.memory_space<vmem>>)
          tpu.yield
        }) : () -> ()
        %dma_start3A_108 = arith.constant 0 : i32
        %dma_start3A_109 = arith.constant 0 : i32
        %dma_start3A_110 = tpu.memref_slice %arg7[%dma_start3A_108, %dma_start3A_109] : memref<2x128xi32, #tpu.memory_space<vmem>> -> memref<1x128xi32, #tpu.memory_space<vmem>>
        %dma_start3A_111 = tpu.memref_squeeze %dma_start3A_110 : memref<1x128xi32, #tpu.memory_space<vmem>> -> memref<128xi32, #tpu.memory_space<vmem>>
        %dma_start3A_112 = arith.constant 0 : i32
        %dma_start3A_113 = arith.constant 0 : i32
        %dma_start3A_114 = tpu.memref_slice %arg2[%dma_start3A_112, %dma_start3A_113] : memref<10000x128xf32, #tpu.memory_space<hbm>> -> memref<10000x128xf32, #tpu.memory_space<hbm>>
        tpu.enqueue_indirect_dma source(%dma_start3A_114 : memref<10000x128xf32, #tpu.memory_space<hbm>>) target(%arg9 : memref<128x128xf32, #tpu.memory_space<vmem>>) offsets(%dma_start3A_111 : memref<128xi32, #tpu.memory_space<vmem>>) semaphore(%arg12 : memref<!tpu.dma_semaphore, #tpu.memory_space<semaphore_mem>>)
      } else {
      }
    }
    %scan3A_27 = arith.constant 40 : i32
    %dma_wait3A = arith.constant 1 : i32
    %dma_wait3A_28 = arith.constant 0 : i32
    %dma_wait3A_29 = tpu.memref_slice %arg6[%dma_wait3A, %dma_wait3A_28] : memref<2x128xi32, #tpu.memory_space<vmem>> -> memref<1x128xi32, #tpu.memory_space<vmem>>
    %dma_wait3A_30 = tpu.memref_squeeze %dma_wait3A_29 : memref<1x128xi32, #tpu.memory_space<vmem>> -> memref<128xi32, #tpu.memory_space<vmem>>
    %dma_wait3A_31 = arith.constant 0 : i32
    %dma_wait3A_32 = arith.constant 0 : i32
    %dma_wait3A_33 = tpu.memref_slice %arg10[%dma_wait3A_31, %dma_wait3A_32] : memref<10240x128xf32, #tpu.memory_space<vmem_shared>> -> memref<10240x128xf32, #tpu.memory_space<vmem_shared>>
    tpu.wait_indirect_dma semaphore(%arg13 : memref<!tpu.dma_semaphore, #tpu.memory_space<semaphore_mem>>) src(%arg8 : memref<128x128xf32, #tpu.memory_space<vmem>>) dst(%dma_wait3A_33 : memref<10240x128xf32, #tpu.memory_space<vmem_shared>>)
    %dma_wait3A_34 = arith.constant 1 : i32
    %dma_wait3A_35 = arith.constant 0 : i32
    %dma_wait3A_36 = tpu.memref_slice %arg7[%dma_wait3A_34, %dma_wait3A_35] : memref<2x128xi32, #tpu.memory_space<vmem>> -> memref<1x128xi32, #tpu.memory_space<vmem>>
    %dma_wait3A_37 = tpu.memref_squeeze %dma_wait3A_36 : memref<1x128xi32, #tpu.memory_space<vmem>> -> memref<128xi32, #tpu.memory_space<vmem>>
    %dma_wait3A_38 = arith.constant 0 : i32
    %dma_wait3A_39 = arith.constant 0 : i32
    %dma_wait3A_40 = tpu.memref_slice %arg10[%dma_wait3A_38, %dma_wait3A_39] : memref<10240x128xf32, #tpu.memory_space<vmem_shared>> -> memref<10240x128xf32, #tpu.memory_space<vmem_shared>>
    tpu.wait_indirect_dma semaphore(%arg14 : memref<!tpu.dma_semaphore, #tpu.memory_space<semaphore_mem>>) src(%arg9 : memref<128x128xf32, #tpu.memory_space<vmem>>) dst(%dma_wait3A_40 : memref<10240x128xf32, #tpu.memory_space<vmem_shared>>)
    %barrier3A_41 = arith.constant 0 : index
    tpu.barrier barrier_id(%barrier3A_41)
    "tpu.region"() ({
      %run_scoped3A = tpu.sem_alloc : memref<!tpu.dma_semaphore, #tpu.memory_space<semaphore_mem>>
      %dma_start3A_42 = arith.constant 0 : i32
      %dma_start3A_43 = arith.constant 0 : i32
      %dma_start3A_44 = tpu.memref_slice %arg5[%arg0, %dma_start3A_42, %dma_start3A_43] : memref<2x10240x128xf32, #tpu.memory_space<hbm>> -> memref<1x10240x128xf32, #tpu.memory_space<hbm>>
      %dma_start3A_45 = tpu.memref_squeeze %dma_start3A_44 : memref<1x10240x128xf32, #tpu.memory_space<hbm>> -> memref<10240x128xf32, #tpu.memory_space<hbm>>
      %dma_start3A_46 = arith.constant 0 : i32
      %dma_start3A_47 = tpu.memref_slice %dma_start3A_45[%mul3A_2, %dma_start3A_46] : memref<10240x128xf32, #tpu.memory_space<hbm>> -> memref<640x128xf32, #tpu.memory_space<hbm>>
      %dma_start3A_48 = arith.constant 0 : i32
      %dma_start3A_49 = tpu.memref_slice %arg10[%mul3A_2, %dma_start3A_48] : memref<10240x128xf32, #tpu.memory_space<vmem_shared>> -> memref<640x128xf32, #tpu.memory_space<vmem_shared>>
      tpu.enqueue_dma source(%dma_start3A_49 : memref<640x128xf32, #tpu.memory_space<vmem_shared>>) target(%dma_start3A_47 : memref<640x128xf32, #tpu.memory_space<hbm>>) target_semaphore(%run_scoped3A : memref<!tpu.dma_semaphore, #tpu.memory_space<semaphore_mem>>)
      %dma_wait3A_50 = arith.constant 0 : i32
      %dma_wait3A_51 = arith.constant 0 : i32
      %dma_wait3A_52 = tpu.memref_slice %arg5[%arg0, %dma_wait3A_50, %dma_wait3A_51] : memref<2x10240x128xf32, #tpu.memory_space<hbm>> -> memref<1x10240x128xf32, #tpu.memory_space<hbm>>
      %dma_wait3A_53 = tpu.memref_squeeze %dma_wait3A_52 : memref<1x10240x128xf32, #tpu.memory_space<hbm>> -> memref<10240x128xf32, #tpu.memory_space<hbm>>
      %dma_wait3A_54 = arith.constant 0 : i32
      %dma_wait3A_55 = tpu.memref_slice %dma_wait3A_53[%mul3A_2, %dma_wait3A_54] : memref<10240x128xf32, #tpu.memory_space<hbm>> -> memref<640x128xf32, #tpu.memory_space<hbm>>
      %dma_wait3A_56 = arith.constant 0 : i32
      %dma_wait3A_57 = tpu.memref_slice %arg10[%mul3A_2, %dma_wait3A_56] : memref<10240x128xf32, #tpu.memory_space<vmem_shared>> -> memref<640x128xf32, #tpu.memory_space<vmem_shared>>
      tpu.wait_dma2 semaphore(%run_scoped3A : memref<!tpu.dma_semaphore, #tpu.memory_space<semaphore_mem>>) src(%dma_wait3A_57 : memref<640x128xf32, #tpu.memory_space<vmem_shared>>) dst(%dma_wait3A_55 : memref<640x128xf32, #tpu.memory_space<hbm>>)
      tpu.yield
    }) : () -> ()
    return
  }
}

#map = affine_map<(d0, d1) -> (0, 0)>
#map1 = affine_map<(d0, d1) -> (0, 0, 0)>
module attributes {stable_mosaic.version = 14 : i64} {
  func.func @k(%arg0: i32, %arg1: i32, %arg2: memref<10000x128xf32, #tpu.memory_space<hbm>>, %arg3: memref<5120x128xi32, #tpu.memory_space<hbm>>, %arg4: memref<640x128xf32, #tpu.memory_space<hbm>>, %arg5: memref<2x10240x128xf32, #tpu.memory_space<hbm>>, %arg6: memref<2x128xi32, #tpu.memory_space<vmem>>, %arg7: memref<2x128xi32, #tpu.memory_space<vmem>>, %arg8: memref<128x128xf32, #tpu.memory_space<vmem>>, %arg9: memref<128x128xf32, #tpu.memory_space<vmem>>, %arg10: memref<10240x128xf32, #tpu.memory_space<vmem_shared>>, %arg11: memref<!tpu.dma_semaphore, #tpu.memory_space<semaphore_mem>>, %arg12: memref<!tpu.dma_semaphore, #tpu.memory_space<semaphore_mem>>, %arg13: memref<!tpu.dma_semaphore, #tpu.memory_space<semaphore_mem>>, %arg14: memref<!tpu.dma_semaphore, #tpu.memory_space<semaphore_mem>>) attributes {dimension_semantics = [#tpu.dimension_semantics<core_parallel>, #tpu.dimension_semantics<subcore_parallel>], iteration_bounds = array<i64: 2, 16>, scalar_prefetch = 0 : i64, scratch_operands = 9 : i64, tpu.core_type = #tpu.core_type<sc_vector_subcore>, window_params = [{transform_indices = #map}, {transform_indices = #map}, {transform_indices = #map}, {transform_indices = #map1}]} {
    %mul3A = arith.constant 2 : i32
    %mul3A_0 = arith.muli %arg1, %mul3A : i32
    %add3A = arith.addi %mul3A_0, %arg0 : i32
    %mul3A_1 = arith.constant 640 : i32
    %mul3A_2 = arith.muli %arg1, %mul3A_1 : i32
    "tpu.region"() ({
      %run_scoped3A = tpu.sem_alloc : memref<!tpu.dma_semaphore, #tpu.memory_space<semaphore_mem>>
      %dma_start3A_42 = arith.constant 0 : i32
      %dma_start3A_43 = tpu.memref_slice %arg10[%mul3A_2, %dma_start3A_42] : memref<10240x128xf32, #tpu.memory_space<vmem_shared>> -> memref<640x128xf32, #tpu.memory_space<vmem_shared>>
      tpu.enqueue_dma source(%arg4 : memref<640x128xf32, #tpu.memory_space<hbm>>) target(%dma_start3A_43 : memref<640x128xf32, #tpu.memory_space<vmem_shared>>) target_semaphore(%run_scoped3A : memref<!tpu.dma_semaphore, #tpu.memory_space<semaphore_mem>>)
      %dma_wait3A_44 = arith.constant 0 : i32
      %dma_wait3A_45 = tpu.memref_slice %arg10[%mul3A_2, %dma_wait3A_44] : memref<10240x128xf32, #tpu.memory_space<vmem_shared>> -> memref<640x128xf32, #tpu.memory_space<vmem_shared>>
      tpu.wait_dma2 semaphore(%run_scoped3A : memref<!tpu.dma_semaphore, #tpu.memory_space<semaphore_mem>>) src(%arg4 : memref<640x128xf32, #tpu.memory_space<hbm>>) dst(%dma_wait3A_45 : memref<640x128xf32, #tpu.memory_space<vmem_shared>>)
      tpu.yield
    }) : () -> ()
    %barrier3A = arith.constant 0 : index
    tpu.barrier barrier_id(%barrier3A)
    %add3A_3 = arith.constant 0 : i32
    %add3A_4 = arith.addi %add3A_3, %add3A : i32
    %mul3A_5 = arith.constant 2 : i32
    %mul3A_6 = arith.muli %add3A_4, %mul3A_5 : i32
    "tpu.region"() ({
      %run_scoped3A = tpu.sem_alloc : memref<!tpu.dma_semaphore, #tpu.memory_space<semaphore_mem>>
      %dma_start3A_42 = arith.constant 0 : i32
      %dma_start3A_43 = tpu.memref_slice %arg3[%mul3A_6, %dma_start3A_42] : memref<5120x128xi32, #tpu.memory_space<hbm>> -> memref<2x128xi32, #tpu.memory_space<hbm>>
      %dma_start3A_44 = arith.constant 0 : i32
      %dma_start3A_45 = tpu.memref_slice %arg3[%mul3A_6, %dma_start3A_44] : memref<5120x128xi32, #tpu.memory_space<hbm>> -> memref<2x128xi32, #tpu.memory_space<hbm>>
      tpu.enqueue_dma source(%dma_start3A_45 : memref<2x128xi32, #tpu.memory_space<hbm>>) target(%arg6 : memref<2x128xi32, #tpu.memory_space<vmem>>) target_semaphore(%run_scoped3A : memref<!tpu.dma_semaphore, #tpu.memory_space<semaphore_mem>>)
      %dma_wait3A_46 = arith.constant 0 : i32
      %dma_wait3A_47 = tpu.memref_slice %arg3[%mul3A_6, %dma_wait3A_46] : memref<5120x128xi32, #tpu.memory_space<hbm>> -> memref<2x128xi32, #tpu.memory_space<hbm>>
      %dma_wait3A_48 = arith.constant 0 : i32
      %dma_wait3A_49 = tpu.memref_slice %arg3[%mul3A_6, %dma_wait3A_48] : memref<5120x128xi32, #tpu.memory_space<hbm>> -> memref<2x128xi32, #tpu.memory_space<hbm>>
      tpu.wait_dma2 semaphore(%run_scoped3A : memref<!tpu.dma_semaphore, #tpu.memory_space<semaphore_mem>>) src(%dma_wait3A_49 : memref<2x128xi32, #tpu.memory_space<hbm>>) dst(%arg6 : memref<2x128xi32, #tpu.memory_space<vmem>>)
      tpu.yield
    }) : () -> ()
    %dma_start3A = arith.constant 0 : i32
    %dma_start3A_7 = arith.constant 0 : i32
    %dma_start3A_8 = tpu.memref_slice %arg6[%dma_start3A, %dma_start3A_7] : memref<2x128xi32, #tpu.memory_space<vmem>> -> memref<1x128xi32, #tpu.memory_space<vmem>>
    %dma_start3A_9 = tpu.memref_squeeze %dma_start3A_8 : memref<1x128xi32, #tpu.memory_space<vmem>> -> memref<128xi32, #tpu.memory_space<vmem>>
    %dma_start3A_10 = arith.constant 0 : i32
    %dma_start3A_11 = arith.constant 0 : i32
    %dma_start3A_12 = tpu.memref_slice %arg2[%dma_start3A_10, %dma_start3A_11] : memref<10000x128xf32, #tpu.memory_space<hbm>> -> memref<10000x128xf32, #tpu.memory_space<hbm>>
    tpu.enqueue_indirect_dma source(%dma_start3A_12 : memref<10000x128xf32, #tpu.memory_space<hbm>>) target(%arg8 : memref<128x128xf32, #tpu.memory_space<vmem>>) offsets(%dma_start3A_9 : memref<128xi32, #tpu.memory_space<vmem>>) semaphore(%arg11 : memref<!tpu.dma_semaphore, #tpu.memory_space<semaphore_mem>>)
    %add3A_13 = arith.constant 32 : i32
    %add3A_14 = arith.addi %add3A_13, %add3A : i32
    %mul3A_15 = arith.constant 2 : i32
    %mul3A_16 = arith.muli %add3A_14, %mul3A_15 : i32
    "tpu.region"() ({
      %run_scoped3A = tpu.sem_alloc : memref<!tpu.dma_semaphore, #tpu.memory_space<semaphore_mem>>
      %dma_start3A_42 = arith.constant 0 : i32
      %dma_start3A_43 = tpu.memref_slice %arg3[%mul3A_16, %dma_start3A_42] : memref<5120x128xi32, #tpu.memory_space<hbm>> -> memref<2x128xi32, #tpu.memory_space<hbm>>
      %dma_start3A_44 = arith.constant 0 : i32
      %dma_start3A_45 = tpu.memref_slice %arg3[%mul3A_16, %dma_start3A_44] : memref<5120x128xi32, #tpu.memory_space<hbm>> -> memref<2x128xi32, #tpu.memory_space<hbm>>
      tpu.enqueue_dma source(%dma_start3A_45 : memref<2x128xi32, #tpu.memory_space<hbm>>) target(%arg7 : memref<2x128xi32, #tpu.memory_space<vmem>>) target_semaphore(%run_scoped3A : memref<!tpu.dma_semaphore, #tpu.memory_space<semaphore_mem>>)
      %dma_wait3A_46 = arith.constant 0 : i32
      %dma_wait3A_47 = tpu.memref_slice %arg3[%mul3A_16, %dma_wait3A_46] : memref<5120x128xi32, #tpu.memory_space<hbm>> -> memref<2x128xi32, #tpu.memory_space<hbm>>
      %dma_wait3A_48 = arith.constant 0 : i32
      %dma_wait3A_49 = tpu.memref_slice %arg3[%mul3A_16, %dma_wait3A_48] : memref<5120x128xi32, #tpu.memory_space<hbm>> -> memref<2x128xi32, #tpu.memory_space<hbm>>
      tpu.wait_dma2 semaphore(%run_scoped3A : memref<!tpu.dma_semaphore, #tpu.memory_space<semaphore_mem>>) src(%dma_wait3A_49 : memref<2x128xi32, #tpu.memory_space<hbm>>) dst(%arg7 : memref<2x128xi32, #tpu.memory_space<vmem>>)
      tpu.yield
    }) : () -> ()
    %dma_start3A_17 = arith.constant 0 : i32
    %dma_start3A_18 = arith.constant 0 : i32
    %dma_start3A_19 = tpu.memref_slice %arg7[%dma_start3A_17, %dma_start3A_18] : memref<2x128xi32, #tpu.memory_space<vmem>> -> memref<1x128xi32, #tpu.memory_space<vmem>>
    %dma_start3A_20 = tpu.memref_squeeze %dma_start3A_19 : memref<1x128xi32, #tpu.memory_space<vmem>> -> memref<128xi32, #tpu.memory_space<vmem>>
    %dma_start3A_21 = arith.constant 0 : i32
    %dma_start3A_22 = arith.constant 0 : i32
    %dma_start3A_23 = tpu.memref_slice %arg2[%dma_start3A_21, %dma_start3A_22] : memref<10000x128xf32, #tpu.memory_space<hbm>> -> memref<10000x128xf32, #tpu.memory_space<hbm>>
    tpu.enqueue_indirect_dma source(%dma_start3A_23 : memref<10000x128xf32, #tpu.memory_space<hbm>>) target(%arg9 : memref<128x128xf32, #tpu.memory_space<vmem>>) offsets(%dma_start3A_20 : memref<128xi32, #tpu.memory_space<vmem>>) semaphore(%arg12 : memref<!tpu.dma_semaphore, #tpu.memory_space<semaphore_mem>>)
    %scan3A = arith.constant 0 : i32
    %scan3A_24 = arith.constant 40 : i32
    %scan3A_25 = arith.addi %scan3A, %scan3A_24 : i32
    %scan3A_26 = arith.constant 1 : i32
    scf.for %scan3A_42 = %scan3A to %scan3A_25 step %scan3A_26  : i32 {
      %mul3A_43 = arith.constant 1 : i32
      %mul3A_44 = arith.muli %scan3A_42, %mul3A_43 : i32
      %add3A_45 = arith.constant 0 : i32
      %add3A_46 = arith.addi %add3A_45, %mul3A_44 : i32
      %mul3A_47 = arith.constant 2 : i32
      %mul3A_48 = arith.muli %add3A_46, %mul3A_47 : i32
      %add3A_49 = arith.constant 0 : i32
      %add3A_50 = arith.addi %mul3A_48, %add3A_49 : i32
      %dma_wait3A_51 = arith.constant 0 : i32
      %dma_wait3A_52 = arith.constant 0 : i32
      %dma_wait3A_53 = tpu.memref_slice %arg6[%dma_wait3A_51, %dma_wait3A_52] : memref<2x128xi32, #tpu.memory_space<vmem>> -> memref<1x128xi32, #tpu.memory_space<vmem>>
      %dma_wait3A_54 = tpu.memref_squeeze %dma_wait3A_53 : memref<1x128xi32, #tpu.memory_space<vmem>> -> memref<128xi32, #tpu.memory_space<vmem>>
      %dma_wait3A_55 = arith.constant 0 : i32
      %dma_wait3A_56 = arith.constant 0 : i32
      %dma_wait3A_57 = tpu.memref_slice %arg2[%dma_wait3A_55, %dma_wait3A_56] : memref<10000x128xf32, #tpu.memory_space<hbm>> -> memref<10000x128xf32, #tpu.memory_space<hbm>>
      tpu.wait_indirect_dma semaphore(%arg11 : memref<!tpu.dma_semaphore, #tpu.memory_space<semaphore_mem>>) src(%dma_wait3A_57 : memref<10000x128xf32, #tpu.memory_space<hbm>>) dst(%arg8 : memref<128x128xf32, #tpu.memory_space<vmem>>)
      %dma_start3A_58 = arith.constant 1 : i32
      %dma_start3A_59 = arith.constant 0 : i32
      %dma_start3A_60 = tpu.memref_slice %arg6[%dma_start3A_58, %dma_start3A_59] : memref<2x128xi32, #tpu.memory_space<vmem>> -> memref<1x128xi32, #tpu.memory_space<vmem>>
      %dma_start3A_61 = tpu.memref_squeeze %dma_start3A_60 : memref<1x128xi32, #tpu.memory_space<vmem>> -> memref<128xi32, #tpu.memory_space<vmem>>
      %dma_start3A_62 = arith.constant 0 : i32
      %dma_start3A_63 = arith.constant 0 : i32
      %dma_start3A_64 = tpu.memref_slice %arg10[%dma_start3A_62, %dma_start3A_63] : memref<10240x128xf32, #tpu.memory_space<vmem_shared>> -> memref<10240x128xf32, #tpu.memory_space<vmem_shared>>
      tpu.enqueue_indirect_dma source(%arg8 : memref<128x128xf32, #tpu.memory_space<vmem>>) target(%dma_start3A_64 : memref<10240x128xf32, #tpu.memory_space<vmem_shared>>) offsets(%dma_start3A_61 : memref<128xi32, #tpu.memory_space<vmem>>) semaphore(%arg13 : memref<!tpu.dma_semaphore, #tpu.memory_space<semaphore_mem>>) {add = true}
      %add3A_65 = arith.constant 2 : i32
      %add3A_66 = arith.addi %add3A_50, %add3A_65 : i32
      %lt3A = arith.constant 80 : i32
      %lt3A_67 = arith.cmpi slt, %add3A_66, %lt3A : i32
      %convert_element_type3A = arith.extui %lt3A_67 : i1 to i32
      %cond3A = arith.constant 0 : i32
      %cond3A_68 = arith.cmpi ne, %convert_element_type3A, %cond3A : i32
      scf.if %cond3A_68 {
        %dma_wait3A_94 = arith.constant 1 : i32
        %dma_wait3A_95 = arith.constant 0 : i32
        %dma_wait3A_96 = tpu.memref_slice %arg6[%dma_wait3A_94, %dma_wait3A_95] : memref<2x128xi32, #tpu.memory_space<vmem>> -> memref<1x128xi32, #tpu.memory_space<vmem>>
        %dma_wait3A_97 = tpu.memref_squeeze %dma_wait3A_96 : memref<1x128xi32, #tpu.memory_space<vmem>> -> memref<128xi32, #tpu.memory_space<vmem>>
        %dma_wait3A_98 = arith.constant 0 : i32
        %dma_wait3A_99 = arith.constant 0 : i32
        %dma_wait3A_100 = tpu.memref_slice %arg10[%dma_wait3A_98, %dma_wait3A_99] : memref<10240x128xf32, #tpu.memory_space<vmem_shared>> -> memref<10240x128xf32, #tpu.memory_space<vmem_shared>>
        tpu.wait_indirect_dma semaphore(%arg13 : memref<!tpu.dma_semaphore, #tpu.memory_space<semaphore_mem>>) src(%arg8 : memref<128x128xf32, #tpu.memory_space<vmem>>) dst(%dma_wait3A_100 : memref<10240x128xf32, #tpu.memory_space<vmem_shared>>)
        %add3A_101 = arith.constant 2 : i32
        %add3A_102 = arith.addi %add3A_50, %add3A_101 : i32
        %mul3A_103 = arith.constant 32 : i32
        %mul3A_104 = arith.muli %add3A_102, %mul3A_103 : i32
        %add3A_105 = arith.addi %mul3A_104, %add3A : i32
        %mul3A_106 = arith.constant 2 : i32
        %mul3A_107 = arith.muli %add3A_105, %mul3A_106 : i32
        "tpu.region"() ({
          %run_scoped3A = tpu.sem_alloc : memref<!tpu.dma_semaphore, #tpu.memory_space<semaphore_mem>>
          %dma_start3A_115 = arith.constant 0 : i32
          %dma_start3A_116 = tpu.memref_slice %arg3[%mul3A_107, %dma_start3A_115] : memref<5120x128xi32, #tpu.memory_space<hbm>> -> memref<2x128xi32, #tpu.memory_space<hbm>>
          %dma_start3A_117 = arith.constant 0 : i32
          %dma_start3A_118 = tpu.memref_slice %arg3[%mul3A_107, %dma_start3A_117] : memref<5120x128xi32, #tpu.memory_space<hbm>> -> memref<2x128xi32, #tpu.memory_space<hbm>>
          tpu.enqueue_dma source(%dma_start3A_118 : memref<2x128xi32, #tpu.memory_space<hbm>>) target(%arg6 : memref<2x128xi32, #tpu.memory_space<vmem>>) target_semaphore(%run_scoped3A : memref<!tpu.dma_semaphore, #tpu.memory_space<semaphore_mem>>)
          %dma_wait3A_119 = arith.constant 0 : i32
          %dma_wait3A_120 = tpu.memref_slice %arg3[%mul3A_107, %dma_wait3A_119] : memref<5120x128xi32, #tpu.memory_space<hbm>> -> memref<2x128xi32, #tpu.memory_space<hbm>>
          %dma_wait3A_121 = arith.constant 0 : i32
          %dma_wait3A_122 = tpu.memref_slice %arg3[%mul3A_107, %dma_wait3A_121] : memref<5120x128xi32, #tpu.memory_space<hbm>> -> memref<2x128xi32, #tpu.memory_space<hbm>>
          tpu.wait_dma2 semaphore(%run_scoped3A : memref<!tpu.dma_semaphore, #tpu.memory_space<semaphore_mem>>) src(%dma_wait3A_122 : memref<2x128xi32, #tpu.memory_space<hbm>>) dst(%arg6 : memref<2x128xi32, #tpu.memory_space<vmem>>)
          tpu.yield
        }) : () -> ()
        %dma_start3A_108 = arith.constant 0 : i32
        %dma_start3A_109 = arith.constant 0 : i32
        %dma_start3A_110 = tpu.memref_slice %arg6[%dma_start3A_108, %dma_start3A_109] : memref<2x128xi32, #tpu.memory_space<vmem>> -> memref<1x128xi32, #tpu.memory_space<vmem>>
        %dma_start3A_111 = tpu.memref_squeeze %dma_start3A_110 : memref<1x128xi32, #tpu.memory_space<vmem>> -> memref<128xi32, #tpu.memory_space<vmem>>
        %dma_start3A_112 = arith.constant 0 : i32
        %dma_start3A_113 = arith.constant 0 : i32
        %dma_start3A_114 = tpu.memref_slice %arg2[%dma_start3A_112, %dma_start3A_113] : memref<10000x128xf32, #tpu.memory_space<hbm>> -> memref<10000x128xf32, #tpu.memory_space<hbm>>
        tpu.enqueue_indirect_dma source(%dma_start3A_114 : memref<10000x128xf32, #tpu.memory_space<hbm>>) target(%arg8 : memref<128x128xf32, #tpu.memory_space<vmem>>) offsets(%dma_start3A_111 : memref<128xi32, #tpu.memory_space<vmem>>) semaphore(%arg11 : memref<!tpu.dma_semaphore, #tpu.memory_space<semaphore_mem>>)
      } else {
      }
      %mul3A_69 = arith.constant 2 : i32
      %mul3A_70 = arith.muli %add3A_46, %mul3A_69 : i32
      %add3A_71 = arith.constant 1 : i32
      %add3A_72 = arith.addi %mul3A_70, %add3A_71 : i32
      %dma_wait3A_73 = arith.constant 0 : i32
      %dma_wait3A_74 = arith.constant 0 : i32
      %dma_wait3A_75 = tpu.memref_slice %arg7[%dma_wait3A_73, %dma_wait3A_74] : memref<2x128xi32, #tpu.memory_space<vmem>> -> memref<1x128xi32, #tpu.memory_space<vmem>>
      %dma_wait3A_76 = tpu.memref_squeeze %dma_wait3A_75 : memref<1x128xi32, #tpu.memory_space<vmem>> -> memref<128xi32, #tpu.memory_space<vmem>>
      %dma_wait3A_77 = arith.constant 0 : i32
      %dma_wait3A_78 = arith.constant 0 : i32
      %dma_wait3A_79 = tpu.memref_slice %arg2[%dma_wait3A_77, %dma_wait3A_78] : memref<10000x128xf32, #tpu.memory_space<hbm>> -> memref<10000x128xf32, #tpu.memory_space<hbm>>
      tpu.wait_indirect_dma semaphore(%arg12 : memref<!tpu.dma_semaphore, #tpu.memory_space<semaphore_mem>>) src(%dma_wait3A_79 : memref<10000x128xf32, #tpu.memory_space<hbm>>) dst(%arg9 : memref<128x128xf32, #tpu.memory_space<vmem>>)
      %dma_start3A_80 = arith.constant 1 : i32
      %dma_start3A_81 = arith.constant 0 : i32
      %dma_start3A_82 = tpu.memref_slice %arg7[%dma_start3A_80, %dma_start3A_81] : memref<2x128xi32, #tpu.memory_space<vmem>> -> memref<1x128xi32, #tpu.memory_space<vmem>>
      %dma_start3A_83 = tpu.memref_squeeze %dma_start3A_82 : memref<1x128xi32, #tpu.memory_space<vmem>> -> memref<128xi32, #tpu.memory_space<vmem>>
      %dma_start3A_84 = arith.constant 0 : i32
      %dma_start3A_85 = arith.constant 0 : i32
      %dma_start3A_86 = tpu.memref_slice %arg10[%dma_start3A_84, %dma_start3A_85] : memref<10240x128xf32, #tpu.memory_space<vmem_shared>> -> memref<10240x128xf32, #tpu.memory_space<vmem_shared>>
      tpu.enqueue_indirect_dma source(%arg9 : memref<128x128xf32, #tpu.memory_space<vmem>>) target(%dma_start3A_86 : memref<10240x128xf32, #tpu.memory_space<vmem_shared>>) offsets(%dma_start3A_83 : memref<128xi32, #tpu.memory_space<vmem>>) semaphore(%arg14 : memref<!tpu.dma_semaphore, #tpu.memory_space<semaphore_mem>>) {add = true}
      %add3A_87 = arith.constant 2 : i32
      %add3A_88 = arith.addi %add3A_72, %add3A_87 : i32
      %lt3A_89 = arith.constant 80 : i32
      %lt3A_90 = arith.cmpi slt, %add3A_88, %lt3A_89 : i32
      %convert_element_type3A_91 = arith.extui %lt3A_90 : i1 to i32
      %cond3A_92 = arith.constant 0 : i32
      %cond3A_93 = arith.cmpi ne, %convert_element_type3A_91, %cond3A_92 : i32
      scf.if %cond3A_93 {
        %dma_wait3A_94 = arith.constant 1 : i32
        %dma_wait3A_95 = arith.constant 0 : i32
        %dma_wait3A_96 = tpu.memref_slice %arg7[%dma_wait3A_94, %dma_wait3A_95] : memref<2x128xi32, #tpu.memory_space<vmem>> -> memref<1x128xi32, #tpu.memory_space<vmem>>
        %dma_wait3A_97 = tpu.memref_squeeze %dma_wait3A_96 : memref<1x128xi32, #tpu.memory_space<vmem>> -> memref<128xi32, #tpu.memory_space<vmem>>
        %dma_wait3A_98 = arith.constant 0 : i32
        %dma_wait3A_99 = arith.constant 0 : i32
        %dma_wait3A_100 = tpu.memref_slice %arg10[%dma_wait3A_98, %dma_wait3A_99] : memref<10240x128xf32, #tpu.memory_space<vmem_shared>> -> memref<10240x128xf32, #tpu.memory_space<vmem_shared>>
        tpu.wait_indirect_dma semaphore(%arg14 : memref<!tpu.dma_semaphore, #tpu.memory_space<semaphore_mem>>) src(%arg9 : memref<128x128xf32, #tpu.memory_space<vmem>>) dst(%dma_wait3A_100 : memref<10240x128xf32, #tpu.memory_space<vmem_shared>>)
        %add3A_101 = arith.constant 2 : i32
        %add3A_102 = arith.addi %add3A_72, %add3A_101 : i32
        %mul3A_103 = arith.constant 32 : i32
        %mul3A_104 = arith.muli %add3A_102, %mul3A_103 : i32
        %add3A_105 = arith.addi %mul3A_104, %add3A : i32
        %mul3A_106 = arith.constant 2 : i32
        %mul3A_107 = arith.muli %add3A_105, %mul3A_106 : i32
        "tpu.region"() ({
          %run_scoped3A = tpu.sem_alloc : memref<!tpu.dma_semaphore, #tpu.memory_space<semaphore_mem>>
          %dma_start3A_115 = arith.constant 0 : i32
          %dma_start3A_116 = tpu.memref_slice %arg3[%mul3A_107, %dma_start3A_115] : memref<5120x128xi32, #tpu.memory_space<hbm>> -> memref<2x128xi32, #tpu.memory_space<hbm>>
          %dma_start3A_117 = arith.constant 0 : i32
          %dma_start3A_118 = tpu.memref_slice %arg3[%mul3A_107, %dma_start3A_117] : memref<5120x128xi32, #tpu.memory_space<hbm>> -> memref<2x128xi32, #tpu.memory_space<hbm>>
          tpu.enqueue_dma source(%dma_start3A_118 : memref<2x128xi32, #tpu.memory_space<hbm>>) target(%arg7 : memref<2x128xi32, #tpu.memory_space<vmem>>) target_semaphore(%run_scoped3A : memref<!tpu.dma_semaphore, #tpu.memory_space<semaphore_mem>>)
          %dma_wait3A_119 = arith.constant 0 : i32
          %dma_wait3A_120 = tpu.memref_slice %arg3[%mul3A_107, %dma_wait3A_119] : memref<5120x128xi32, #tpu.memory_space<hbm>> -> memref<2x128xi32, #tpu.memory_space<hbm>>
          %dma_wait3A_121 = arith.constant 0 : i32
          %dma_wait3A_122 = tpu.memref_slice %arg3[%mul3A_107, %dma_wait3A_121] : memref<5120x128xi32, #tpu.memory_space<hbm>> -> memref<2x128xi32, #tpu.memory_space<hbm>>
          tpu.wait_dma2 semaphore(%run_scoped3A : memref<!tpu.dma_semaphore, #tpu.memory_space<semaphore_mem>>) src(%dma_wait3A_122 : memref<2x128xi32, #tpu.memory_space<hbm>>) dst(%arg7 : memref<2x128xi32, #tpu.memory_space<vmem>>)
          tpu.yield
        }) : () -> ()
        %dma_start3A_108 = arith.constant 0 : i32
        %dma_start3A_109 = arith.constant 0 : i32
        %dma_start3A_110 = tpu.memref_slice %arg7[%dma_start3A_108, %dma_start3A_109] : memref<2x128xi32, #tpu.memory_space<vmem>> -> memref<1x128xi32, #tpu.memory_space<vmem>>
        %dma_start3A_111 = tpu.memref_squeeze %dma_start3A_110 : memref<1x128xi32, #tpu.memory_space<vmem>> -> memref<128xi32, #tpu.memory_space<vmem>>
        %dma_start3A_112 = arith.constant 0 : i32
        %dma_start3A_113 = arith.constant 0 : i32
        %dma_start3A_114 = tpu.memref_slice %arg2[%dma_start3A_112, %dma_start3A_113] : memref<10000x128xf32, #tpu.memory_space<hbm>> -> memref<10000x128xf32, #tpu.memory_space<hbm>>
        tpu.enqueue_indirect_dma source(%dma_start3A_114 : memref<10000x128xf32, #tpu.memory_space<hbm>>) target(%arg9 : memref<128x128xf32, #tpu.memory_space<vmem>>) offsets(%dma_start3A_111 : memref<128xi32, #tpu.memory_space<vmem>>) semaphore(%arg12 : memref<!tpu.dma_semaphore, #tpu.memory_space<semaphore_mem>>)
      } else {
      }
    }
    %scan3A_27 = arith.constant 40 : i32
    %dma_wait3A = arith.constant 1 : i32
    %dma_wait3A_28 = arith.constant 0 : i32
    %dma_wait3A_29 = tpu.memref_slice %arg6[%dma_wait3A, %dma_wait3A_28] : memref<2x128xi32, #tpu.memory_space<vmem>> -> memref<1x128xi32, #tpu.memory_space<vmem>>
    %dma_wait3A_30 = tpu.memref_squeeze %dma_wait3A_29 : memref<1x128xi32, #tpu.memory_space<vmem>> -> memref<128xi32, #tpu.memory_space<vmem>>
    %dma_wait3A_31 = arith.constant 0 : i32
    %dma_wait3A_32 = arith.constant 0 : i32
    %dma_wait3A_33 = tpu.memref_slice %arg10[%dma_wait3A_31, %dma_wait3A_32] : memref<10240x128xf32, #tpu.memory_space<vmem_shared>> -> memref<10240x128xf32, #tpu.memory_space<vmem_shared>>
    tpu.wait_indirect_dma semaphore(%arg13 : memref<!tpu.dma_semaphore, #tpu.memory_space<semaphore_mem>>) src(%arg8 : memref<128x128xf32, #tpu.memory_space<vmem>>) dst(%dma_wait3A_33 : memref<10240x128xf32, #tpu.memory_space<vmem_shared>>)
    %dma_wait3A_34 = arith.constant 1 : i32
    %dma_wait3A_35 = arith.constant 0 : i32
    %dma_wait3A_36 = tpu.memref_slice %arg7[%dma_wait3A_34, %dma_wait3A_35] : memref<2x128xi32, #tpu.memory_space<vmem>> -> memref<1x128xi32, #tpu.memory_space<vmem>>
    %dma_wait3A_37 = tpu.memref_squeeze %dma_wait3A_36 : memref<1x128xi32, #tpu.memory_space<vmem>> -> memref<128xi32, #tpu.memory_space<vmem>>
    %dma_wait3A_38 = arith.constant 0 : i32
    %dma_wait3A_39 = arith.constant 0 : i32
    %dma_wait3A_40 = tpu.memref_slice %arg10[%dma_wait3A_38, %dma_wait3A_39] : memref<10240x128xf32, #tpu.memory_space<vmem_shared>> -> memref<10240x128xf32, #tpu.memory_space<vmem_shared>>
    tpu.wait_indirect_dma semaphore(%arg14 : memref<!tpu.dma_semaphore, #tpu.memory_space<semaphore_mem>>) src(%arg9 : memref<128x128xf32, #tpu.memory_space<vmem>>) dst(%dma_wait3A_40 : memref<10240x128xf32, #tpu.memory_space<vmem_shared>>)
    %barrier3A_41 = arith.constant 0 : index
    tpu.barrier barrier_id(%barrier3A_41)
    "tpu.region"() ({
      %run_scoped3A = tpu.sem_alloc : memref<!tpu.dma_semaphore, #tpu.memory_space<semaphore_mem>>
      %dma_start3A_42 = arith.constant 0 : i32
      %dma_start3A_43 = arith.constant 0 : i32
      %dma_start3A_44 = tpu.memref_slice %arg5[%arg0, %dma_start3A_42, %dma_start3A_43] : memref<2x10240x128xf32, #tpu.memory_space<hbm>> -> memref<1x10240x128xf32, #tpu.memory_space<hbm>>
      %dma_start3A_45 = tpu.memref_squeeze %dma_start3A_44 : memref<1x10240x128xf32, #tpu.memory_space<hbm>> -> memref<10240x128xf32, #tpu.memory_space<hbm>>
      %dma_start3A_46 = arith.constant 0 : i32
      %dma_start3A_47 = tpu.memref_slice %dma_start3A_45[%mul3A_2, %dma_start3A_46] : memref<10240x128xf32, #tpu.memory_space<hbm>> -> memref<640x128xf32, #tpu.memory_space<hbm>>
      %dma_start3A_48 = arith.constant 0 : i32
      %dma_start3A_49 = tpu.memref_slice %arg10[%mul3A_2, %dma_start3A_48] : memref<10240x128xf32, #tpu.memory_space<vmem_shared>> -> memref<640x128xf32, #tpu.memory_space<vmem_shared>>
      tpu.enqueue_dma source(%dma_start3A_49 : memref<640x128xf32, #tpu.memory_space<vmem_shared>>) target(%dma_start3A_47 : memref<640x128xf32, #tpu.memory_space<hbm>>) target_semaphore(%run_scoped3A : memref<!tpu.dma_semaphore, #tpu.memory_space<semaphore_mem>>)
      %dma_wait3A_50 = arith.constant 0 : i32
      %dma_wait3A_51 = arith.constant 0 : i32
      %dma_wait3A_52 = tpu.memref_slice %arg5[%arg0, %dma_wait3A_50, %dma_wait3A_51] : memref<2x10240x128xf32, #tpu.memory_space<hbm>> -> memref<1x10240x128xf32, #tpu.memory_space<hbm>>
      %dma_wait3A_53 = tpu.memref_squeeze %dma_wait3A_52 : memref<1x10240x128xf32, #tpu.memory_space<hbm>> -> memref<10240x128xf32, #tpu.memory_space<hbm>>
      %dma_wait3A_54 = arith.constant 0 : i32
      %dma_wait3A_55 = tpu.memref_slice %dma_wait3A_53[%mul3A_2, %dma_wait3A_54] : memref<10240x128xf32, #tpu.memory_space<hbm>> -> memref<640x128xf32, #tpu.memory_space<hbm>>
      %dma_wait3A_56 = arith.constant 0 : i32
      %dma_wait3A_57 = tpu.memref_slice %arg10[%mul3A_2, %dma_wait3A_56] : memref<10240x128xf32, #tpu.memory_space<vmem_shared>> -> memref<640x128xf32, #tpu.memory_space<vmem_shared>>
      tpu.wait_dma2 semaphore(%run_scoped3A : memref<!tpu.dma_semaphore, #tpu.memory_space<semaphore_mem>>) src(%dma_wait3A_57 : memref<640x128xf32, #tpu.memory_space<vmem_shared>>) dst(%dma_wait3A_55 : memref<640x128xf32, #tpu.memory_space<hbm>>)
      tpu.yield
    }) : () -> ()
    return
  }
}

module attributes {stable_mosaic.version = 14 : i64} {
  func.func @_tc_sage_body(%arg0: memref<10000x128xf32, #tpu.memory_space<vmem>>, %arg1: memref<10000x128xf32, #tpu.memory_space<vmem>>, %arg2: memref<10000x1xf32, #tpu.memory_space<vmem>>, %arg3: memref<10000x1xf32, #tpu.memory_space<vmem>>, %arg4: memref<10000x128xf32, #tpu.memory_space<vmem>>, %arg5: memref<128x128xf32, #tpu.memory_space<vmem>>, %arg6: memref<1x128xf32, #tpu.memory_space<vmem>>, %arg7: memref<128x128xf32, #tpu.memory_space<vmem>>, %arg8: memref<10000x128xf32, #tpu.memory_space<vmem>>) attributes {dimension_semantics = [], scalar_prefetch = 0 : i64, scratch_operands = 0 : i64, tpu.core_type = #tpu.core_type<tc>} {
    %get3A = arith.constant 0 : index
    %get3A_0 = arith.constant 0 : index
    %get3A_1 = vector.load %arg2[%get3A, %get3A_0] : memref<10000x1xf32, #tpu.memory_space<vmem>>, vector<10000x1xf32>
    %get3A_2 = arith.constant 0 : index
    %get3A_3 = arith.constant 0 : index
    %get3A_4 = vector.load %arg3[%get3A_2, %get3A_3] : memref<10000x1xf32, #tpu.memory_space<vmem>>, vector<10000x1xf32>
    %add3A = arith.addf %get3A_1, %get3A_4 : vector<10000x1xf32>
    %max3A = arith.constant 1.000000e+00 : f32
    %max3A_5 = vector.broadcast %max3A : f32 to vector<10000x1xf32>
    %max3A_6 = arith.maximumf %add3A, %max3A_5 : vector<10000x1xf32>
    %get3A_7 = arith.constant 0 : index
    %get3A_8 = arith.constant 0 : index
    %get3A_9 = vector.load %arg0[%get3A_7, %get3A_8] : memref<10000x128xf32, #tpu.memory_space<vmem>>, vector<10000x128xf32>
    %get3A_10 = arith.constant 0 : index
    %get3A_11 = arith.constant 0 : index
    %get3A_12 = vector.load %arg1[%get3A_10, %get3A_11] : memref<10000x128xf32, #tpu.memory_space<vmem>>, vector<10000x128xf32>
    %add3A_13 = arith.addf %get3A_9, %get3A_12 : vector<10000x128xf32>
    %div3A = vector.broadcast %max3A_6 : vector<10000x1xf32> to vector<10000x128xf32>
    %div3A_14 = arith.divf %add3A_13, %div3A : vector<10000x128xf32>
    %get3A_15 = arith.constant 0 : index
    %get3A_16 = arith.constant 0 : index
    %get3A_17 = vector.load %arg5[%get3A_15, %get3A_16] : memref<128x128xf32, #tpu.memory_space<vmem>>, vector<128x128xf32>
    %dot_general3A = arith.constant dense<0.000000e+00> : vector<10000x128xf32>
    %dot_general3A_18 = tpu.matmul %div3A_14, %get3A_17, %dot_general3A {dimension_numbers = #tpu.dot_dimension_numbers<[1], [0], [0], [1], [0, 0, 1, 1], [], []>, transpose_lhs_hint = false} : vector<10000x128xf32>, vector<128x128xf32>, vector<10000x128xf32> -> vector<10000x128xf32>
    %get3A_19 = arith.constant 0 : index
    %get3A_20 = arith.constant 0 : index
    %get3A_21 = vector.load %arg6[%get3A_19, %get3A_20] : memref<1x128xf32, #tpu.memory_space<vmem>>, vector<1x128xf32>
    %add3A_22 = vector.broadcast %get3A_21 : vector<1x128xf32> to vector<10000x128xf32>
    %add3A_23 = arith.addf %dot_general3A_18, %add3A_22 : vector<10000x128xf32>
    %get3A_24 = arith.constant 0 : index
    %get3A_25 = arith.constant 0 : index
    %get3A_26 = vector.load %arg4[%get3A_24, %get3A_25] : memref<10000x128xf32, #tpu.memory_space<vmem>>, vector<10000x128xf32>
    %get3A_27 = arith.constant 0 : index
    %get3A_28 = arith.constant 0 : index
    %get3A_29 = vector.load %arg7[%get3A_27, %get3A_28] : memref<128x128xf32, #tpu.memory_space<vmem>>, vector<128x128xf32>
    %dot_general3A_30 = arith.constant dense<0.000000e+00> : vector<10000x128xf32>
    %dot_general3A_31 = tpu.matmul %get3A_26, %get3A_29, %dot_general3A_30 {dimension_numbers = #tpu.dot_dimension_numbers<[1], [0], [0], [1], [0, 0, 1, 1], [], []>, transpose_lhs_hint = false} : vector<10000x128xf32>, vector<128x128xf32>, vector<10000x128xf32> -> vector<10000x128xf32>
    %add3A_32 = arith.addf %add3A_23, %dot_general3A_31 : vector<10000x128xf32>
    %max3A_33 = arith.constant 0.000000e+00 : f32
    %max3A_34 = vector.broadcast %max3A_33 : f32 to vector<10000x128xf32>
    %max3A_35 = arith.maximumf %add3A_32, %max3A_34 : vector<10000x128xf32>
    %swap3A = arith.constant 0 : index
    %swap3A_36 = arith.constant 0 : index
    %swap3A_37 = vector.load %arg8[%swap3A, %swap3A_36] : memref<10000x128xf32, #tpu.memory_space<vmem>>, vector<10000x128xf32>
    tpu.vector_store %arg8[%swap3A, %swap3A_36], %max3A_35 {strides = array<i32>} : memref<10000x128xf32, #tpu.memory_space<vmem>>, vector<10000x128xf32>,
    return
  }
}

module attributes {stable_mosaic.version = 14 : i64} {
  func.func @_tc_decode_prep_body(%arg0: memref<10000x128xf32, #tpu.memory_space<vmem>>, %arg1: memref<10000x128xf32, #tpu.memory_space<vmem>>, %arg2: memref<10000x1xf32, #tpu.memory_space<vmem>>, %arg3: memref<10000x1xf32, #tpu.memory_space<vmem>>, %arg4: memref<10000x128xf32, #tpu.memory_space<vmem>>, %arg5: memref<128x128xf32, #tpu.memory_space<vmem>>, %arg6: memref<1x128xf32, #tpu.memory_space<vmem>>, %arg7: memref<128x128xf32, #tpu.memory_space<vmem>>, %arg8: memref<128x128xf32, #tpu.memory_space<vmem>>, %arg9: memref<128x128xf32, #tpu.memory_space<vmem>>, %arg10: memref<1x128xf32, #tpu.memory_space<vmem>>, %arg11: memref<10000x128xf32, #tpu.memory_space<vmem>>, %arg12: memref<10000x128xf32, #tpu.memory_space<vmem>>) attributes {dimension_semantics = [], scalar_prefetch = 0 : i64, scratch_operands = 0 : i64, tpu.core_type = #tpu.core_type<tc>} {
    %get3A = arith.constant 0 : index
    %get3A_0 = arith.constant 0 : index
    %get3A_1 = vector.load %arg2[%get3A, %get3A_0] : memref<10000x1xf32, #tpu.memory_space<vmem>>, vector<10000x1xf32>
    %get3A_2 = arith.constant 0 : index
    %get3A_3 = arith.constant 0 : index
    %get3A_4 = vector.load %arg3[%get3A_2, %get3A_3] : memref<10000x1xf32, #tpu.memory_space<vmem>>, vector<10000x1xf32>
    %add3A = arith.addf %get3A_1, %get3A_4 : vector<10000x1xf32>
    %max3A = arith.constant 1.000000e+00 : f32
    %max3A_5 = vector.broadcast %max3A : f32 to vector<10000x1xf32>
    %max3A_6 = arith.maximumf %add3A, %max3A_5 : vector<10000x1xf32>
    %get3A_7 = arith.constant 0 : index
    %get3A_8 = arith.constant 0 : index
    %get3A_9 = vector.load %arg0[%get3A_7, %get3A_8] : memref<10000x128xf32, #tpu.memory_space<vmem>>, vector<10000x128xf32>
    %get3A_10 = arith.constant 0 : index
    %get3A_11 = arith.constant 0 : index
    %get3A_12 = vector.load %arg1[%get3A_10, %get3A_11] : memref<10000x128xf32, #tpu.memory_space<vmem>>, vector<10000x128xf32>
    %add3A_13 = arith.addf %get3A_9, %get3A_12 : vector<10000x128xf32>
    %div3A = vector.broadcast %max3A_6 : vector<10000x1xf32> to vector<10000x128xf32>
    %div3A_14 = arith.divf %add3A_13, %div3A : vector<10000x128xf32>
    %get3A_15 = arith.constant 0 : index
    %get3A_16 = arith.constant 0 : index
    %get3A_17 = vector.load %arg5[%get3A_15, %get3A_16] : memref<128x128xf32, #tpu.memory_space<vmem>>, vector<128x128xf32>
    %dot_general3A = arith.constant dense<0.000000e+00> : vector<10000x128xf32>
    %dot_general3A_18 = tpu.matmul %div3A_14, %get3A_17, %dot_general3A {dimension_numbers = #tpu.dot_dimension_numbers<[1], [0], [0], [1], [0, 0, 1, 1], [], []>, transpose_lhs_hint = false} : vector<10000x128xf32>, vector<128x128xf32>, vector<10000x128xf32> -> vector<10000x128xf32>
    %get3A_19 = arith.constant 0 : index
    %get3A_20 = arith.constant 0 : index
    %get3A_21 = vector.load %arg6[%get3A_19, %get3A_20] : memref<1x128xf32, #tpu.memory_space<vmem>>, vector<1x128xf32>
    %add3A_22 = vector.broadcast %get3A_21 : vector<1x128xf32> to vector<10000x128xf32>
    %add3A_23 = arith.addf %dot_general3A_18, %add3A_22 : vector<10000x128xf32>
    %get3A_24 = arith.constant 0 : index
    %get3A_25 = arith.constant 0 : index
    %get3A_26 = vector.load %arg4[%get3A_24, %get3A_25] : memref<10000x128xf32, #tpu.memory_space<vmem>>, vector<10000x128xf32>
    %get3A_27 = arith.constant 0 : index
    %get3A_28 = arith.constant 0 : index
    %get3A_29 = vector.load %arg7[%get3A_27, %get3A_28] : memref<128x128xf32, #tpu.memory_space<vmem>>, vector<128x128xf32>
    %dot_general3A_30 = arith.constant dense<0.000000e+00> : vector<10000x128xf32>
    %dot_general3A_31 = tpu.matmul %get3A_26, %get3A_29, %dot_general3A_30 {dimension_numbers = #tpu.dot_dimension_numbers<[1], [0], [0], [1], [0, 0, 1, 1], [], []>, transpose_lhs_hint = false} : vector<10000x128xf32>, vector<128x128xf32>, vector<10000x128xf32> -> vector<10000x128xf32>
    %add3A_32 = arith.addf %add3A_23, %dot_general3A_31 : vector<10000x128xf32>
    %get3A_33 = arith.constant 0 : index
    %get3A_34 = arith.constant 0 : index
    %get3A_35 = vector.load %arg8[%get3A_33, %get3A_34] : memref<128x128xf32, #tpu.memory_space<vmem>>, vector<128x128xf32>
    %dot_general3A_36 = arith.constant dense<0.000000e+00> : vector<10000x128xf32>
    %dot_general3A_37 = tpu.matmul %add3A_32, %get3A_35, %dot_general3A_36 {dimension_numbers = #tpu.dot_dimension_numbers<[1], [0], [0], [1], [0, 0, 1, 1], [], []>, transpose_lhs_hint = false} : vector<10000x128xf32>, vector<128x128xf32>, vector<10000x128xf32> -> vector<10000x128xf32>
    %get3A_38 = arith.constant 0 : index
    %get3A_39 = arith.constant 0 : index
    %get3A_40 = vector.load %arg10[%get3A_38, %get3A_39] : memref<1x128xf32, #tpu.memory_space<vmem>>, vector<1x128xf32>
    %add3A_41 = vector.broadcast %get3A_40 : vector<1x128xf32> to vector<10000x128xf32>
    %add3A_42 = arith.addf %dot_general3A_37, %add3A_41 : vector<10000x128xf32>
    %swap3A = arith.constant 0 : index
    %swap3A_43 = arith.constant 0 : index
    %swap3A_44 = vector.load %arg11[%swap3A, %swap3A_43] : memref<10000x128xf32, #tpu.memory_space<vmem>>, vector<10000x128xf32>
    tpu.vector_store %arg11[%swap3A, %swap3A_43], %add3A_42 {strides = array<i32>} : memref<10000x128xf32, #tpu.memory_space<vmem>>, vector<10000x128xf32>,
    %get3A_45 = arith.constant 0 : index
    %get3A_46 = arith.constant 0 : index
    %get3A_47 = vector.load %arg9[%get3A_45, %get3A_46] : memref<128x128xf32, #tpu.memory_space<vmem>>, vector<128x128xf32>
    %dot_general3A_48 = arith.constant dense<0.000000e+00> : vector<10000x128xf32>
    %dot_general3A_49 = tpu.matmul %add3A_32, %get3A_47, %dot_general3A_48 {dimension_numbers = #tpu.dot_dimension_numbers<[1], [0], [0], [1], [0, 0, 1, 1], [], []>, transpose_lhs_hint = false} : vector<10000x128xf32>, vector<128x128xf32>, vector<10000x128xf32> -> vector<10000x128xf32>
    %swap3A_50 = arith.constant 0 : index
    %swap3A_51 = arith.constant 0 : index
    %swap3A_52 = vector.load %arg12[%swap3A_50, %swap3A_51] : memref<10000x128xf32, #tpu.memory_space<vmem>>, vector<10000x128xf32>
    tpu.vector_store %arg12[%swap3A_50, %swap3A_51], %dot_general3A_49 {strides = array<i32>} : memref<10000x128xf32, #tpu.memory_space<vmem>>, vector<10000x128xf32>,
    return
  }
}

module attributes {stable_mosaic.version = 14 : i64} {
  func.func @_tc_logits_body(%arg0: i32, %arg1: memref<2048x128xf32, #tpu.memory_space<vmem>>, %arg2: memref<1x128xf32, #tpu.memory_space<vmem>>, %arg3: memref<1x1xf32, #tpu.memory_space<vmem>>, %arg4: memref<1024x1xf32, #tpu.memory_space<vmem>>) attributes {dimension_semantics = [#tpu.dimension_semantics<arbitrary>], iteration_bounds = array<i64: 320>, scalar_prefetch = 0 : i64, scratch_operands = 0 : i64, tpu.core_type = #tpu.core_type<tc>, window_params = [{transform_indices = @transform_0, window_bounds = array<i64: 2048, 128>}, {pipeline_mode = #tpu.pipeline_mode<synchronous>, transform_indices = @transform_1, window_bounds = array<i64: 1, 128>}, {pipeline_mode = #tpu.pipeline_mode<synchronous>, transform_indices = @transform_2, window_bounds = array<i64: 1, 1>}, {transform_indices = @transform_3, window_bounds = array<i64: 1024, 1>}]} {
    %get3A = arith.constant 0 : index
    %get3A_0 = arith.constant 0 : index
    %get3A_1 = vector.load %arg1[%get3A, %get3A_0] : memref<2048x128xf32, #tpu.memory_space<vmem>>, vector<2048x128xf32>
    %slice3A = vector.extract_strided_slice %get3A_1 {offsets = [0, 0], sizes = [128, 128], strides = [1, 1]} : vector<2048x128xf32> to vector<128x128xf32>
    %slice3A_2 = vector.extract_strided_slice %get3A_1 {offsets = [256, 0], sizes = [128, 128], strides = [1, 1]} : vector<2048x128xf32> to vector<128x128xf32>
    %slice3A_3 = vector.extract_strided_slice %get3A_1 {offsets = [512, 0], sizes = [128, 128], strides = [1, 1]} : vector<2048x128xf32> to vector<128x128xf32>
    %slice3A_4 = vector.extract_strided_slice %get3A_1 {offsets = [768, 0], sizes = [128, 128], strides = [1, 1]} : vector<2048x128xf32> to vector<128x128xf32>
    %slice3A_5 = vector.extract_strided_slice %get3A_1 {offsets = [1024, 0], sizes = [128, 128], strides = [1, 1]} : vector<2048x128xf32> to vector<128x128xf32>
    %slice3A_6 = vector.extract_strided_slice %get3A_1 {offsets = [1280, 0], sizes = [128, 128], strides = [1, 1]} : vector<2048x128xf32> to vector<128x128xf32>
    %slice3A_7 = vector.extract_strided_slice %get3A_1 {offsets = [1536, 0], sizes = [128, 128], strides = [1, 1]} : vector<2048x128xf32> to vector<128x128xf32>
    %slice3A_8 = vector.extract_strided_slice %get3A_1 {offsets = [1792, 0], sizes = [128, 128], strides = [1, 1]} : vector<2048x128xf32> to vector<128x128xf32>
    %concatenate3A = tpu.concatenate %slice3A, %slice3A_2, %slice3A_3, %slice3A_4, %slice3A_5, %slice3A_6, %slice3A_7, %slice3A_8 in 0 : vector<128x128xf32>, vector<128x128xf32>, vector<128x128xf32>, vector<128x128xf32>, vector<128x128xf32>, vector<128x128xf32>, vector<128x128xf32>, vector<128x128xf32> -> vector<1024x128xf32>
    %slice3A_9 = vector.extract_strided_slice %get3A_1 {offsets = [128, 0], sizes = [128, 128], strides = [1, 1]} : vector<2048x128xf32> to vector<128x128xf32>
    %slice3A_10 = vector.extract_strided_slice %get3A_1 {offsets = [384, 0], sizes = [128, 128], strides = [1, 1]} : vector<2048x128xf32> to vector<128x128xf32>
    %slice3A_11 = vector.extract_strided_slice %get3A_1 {offsets = [640, 0], sizes = [128, 128], strides = [1, 1]} : vector<2048x128xf32> to vector<128x128xf32>
    %slice3A_12 = vector.extract_strided_slice %get3A_1 {offsets = [896, 0], sizes = [128, 128], strides = [1, 1]} : vector<2048x128xf32> to vector<128x128xf32>
    %slice3A_13 = vector.extract_strided_slice %get3A_1 {offsets = [1152, 0], sizes = [128, 128], strides = [1, 1]} : vector<2048x128xf32> to vector<128x128xf32>
    %slice3A_14 = vector.extract_strided_slice %get3A_1 {offsets = [1408, 0], sizes = [128, 128], strides = [1, 1]} : vector<2048x128xf32> to vector<128x128xf32>
    %slice3A_15 = vector.extract_strided_slice %get3A_1 {offsets = [1664, 0], sizes = [128, 128], strides = [1, 1]} : vector<2048x128xf32> to vector<128x128xf32>
    %slice3A_16 = vector.extract_strided_slice %get3A_1 {offsets = [1920, 0], sizes = [128, 128], strides = [1, 1]} : vector<2048x128xf32> to vector<128x128xf32>
    %concatenate3A_17 = tpu.concatenate %slice3A_9, %slice3A_10, %slice3A_11, %slice3A_12, %slice3A_13, %slice3A_14, %slice3A_15, %slice3A_16 in 0 : vector<128x128xf32>, vector<128x128xf32>, vector<128x128xf32>, vector<128x128xf32>, vector<128x128xf32>, vector<128x128xf32>, vector<128x128xf32>, vector<128x128xf32> -> vector<1024x128xf32>
    %add3A = arith.addf %concatenate3A, %concatenate3A_17 : vector<1024x128xf32>
    %max3A = arith.constant 0.000000e+00 : f32
    %max3A_18 = vector.broadcast %max3A : f32 to vector<1024x128xf32>
    %max3A_19 = arith.maximumf %add3A, %max3A_18 : vector<1024x128xf32>
    %get3A_20 = arith.constant 0 : index
    %get3A_21 = arith.constant 0 : index
    %get3A_22 = vector.load %arg2[%get3A_20, %get3A_21] : memref<1x128xf32, #tpu.memory_space<vmem>>, vector<1x128xf32>
    %mul3A = vector.broadcast %get3A_22 : vector<1x128xf32> to vector<1024x128xf32>
    %mul3A_23 = arith.mulf %max3A_19, %mul3A : vector<1024x128xf32>
    %reduce_sum3A = arith.constant dense<0.000000e+00> : vector<1024xf32>
    %reduce_sum3A_24 = vector.multi_reduction <add>, %mul3A_23, %reduce_sum3A [1] : vector<1024x128xf32> to vector<1024xf32>
    %broadcast_in_dim3A = vector.shape_cast %reduce_sum3A_24 : vector<1024xf32> to vector<1024x1xf32>
    %get3A_25 = arith.constant 0 : index
    %get3A_26 = arith.constant 0 : index
    %get3A_27 = vector.load %arg3[%get3A_25, %get3A_26] : memref<1x1xf32, #tpu.memory_space<vmem>>, vector<1x1xf32>
    %add3A_28 = vector.broadcast %get3A_27 : vector<1x1xf32> to vector<1024x1xf32>
    %add3A_29 = arith.addf %broadcast_in_dim3A, %add3A_28 : vector<1024x1xf32>
    %swap3A = arith.constant 0 : index
    %swap3A_30 = arith.constant 0 : index
    %swap3A_31 = vector.load %arg4[%swap3A, %swap3A_30] : memref<1024x1xf32, #tpu.memory_space<vmem>>, vector<1024x1xf32>
    tpu.vector_store %arg4[%swap3A, %swap3A_30], %add3A_29 {strides = array<i32>} : memref<1024x1xf32, #tpu.memory_space<vmem>>, vector<1024x1xf32>,
    return
  }
  func.func @transform_0(%arg0: i32) -> (i32, i32) {
    %c0_i32 = arith.constant 0 : i32
    %c0_i32_0 = arith.constant 0 : i32
    return %arg0, %c0_i32 : i32, i32
  }
  func.func @transform_1(%arg0: i32) -> (i32, i32) {
    %c0_i32 = arith.constant 0 : i32
    %c0_i32_0 = arith.constant 0 : i32
    %c0_i32_1 = arith.constant 0 : i32
    return %c0_i32, %c0_i32_0 : i32, i32
  }
  func.func @transform_2(%arg0: i32) -> (i32, i32) {
    %c0_i32 = arith.constant 0 : i32
    %c0_i32_0 = arith.constant 0 : i32
    %c0_i32_1 = arith.constant 0 : i32
    return %c0_i32, %c0_i32_0 : i32, i32
  }
  func.func @transform_3(%arg0: i32) -> (i32, i32) {
    %c0_i32 = arith.constant 0 : i32
    %c0_i32_0 = arith.constant 0 : i32
    return %arg0, %c0_i32 : i32, i32
  }
}

</mosaic_0001>

<sc_bundles>
// kernel: kernel.12.cloned.1.call-start
scs
__scs_entry_jumppad:
0x0: {  	(pc) =	sbr.rel $0x88, $3  }
0x1: {  	(tag) =	ssettag $0x0;
	lr =	simm.s32 $0x1  }
0x2: {  	[smem:$0x3F95] =	sst lr;
	_ =	strace $0xD0000000  }
0x3: {  	_ = 	snop  }
0x4: {  	_ = 	snop  }
0x5: {  	_ = 	snop  }
0x6: {  	_ = 	snop  }
0x7: {  	_ = 	snop  }
__scs_overlays_trampoline_lowered:
0x8: {  	[smem:$0x3FA4] =	sst s0  }
0x9: {  	[smem:$0x3FA5] =	sst s1  }
0xa: {  	[smem:$0x3FA6] =	sst s2  }
0xb: {  	[smem:$0x3FA7] =	sst s3  }
0xc: {  	[smem:$0x3FA8] =	sst s4  }
0xd: {  	[smem:$0x3FA9] =	sst s5  }
0xe: {  	[smem:$0x3FAA] =	sst s6  }
0xf: {  	[smem:$0x3FAB] =	sst s7  }
0x10: {  	[smem:$0x3FAC] =	sst s8  }
0x11: {  	[smem:$0x3FAD] =	sst s9;
	s0 =	simm.s32 @!p0 $0x0  }
0x12: {  	s1 =	sld [smem:$0x3F93];
	s0 =	simm.s32 @p0 $0x1  }
0x13: {  	[smem:$0x3FAE] =	sst s0;
	s0 =	simm.s32 @!p1 $0x0  }
0x14: {  	s2 =	sld [smem:$0x3F92];
	s0 =	simm.s32 @p1 $0x1  }
0x15: {  	[smem:$0x3FAF] =	sst s0;
	s0 =	simm.s32 @!p2 $0x0  }
0x16: {  	s3 =	sld [smem:$0x3FDB];
	s0 =	simm.s32 @p2 $0x1  }
0x17: {  	s4 =	simm.s32 $0x1BF5;
	[smem:$0x3FB1] =	sst s0  }
0x18: {  	s0 =	sld [smem:$0x3F94];
	_ =	swait.ge [sflag:s4], $0x0  }
0x19: {  	s7 =	sld [smem:$0x3F95]  }
0x1a: {  	s8 =	sadd.s32 $0xFFFFE003, lr  }
0x1b: {  	s9 =	sadd.s32 $0xFFFFFEF7, lr;
	s5 =	simm.s32 $0xFFFFFFFF;
	p2 =	slt.u32 s8, $0xFFFFF086  }
0x1c: {  	p1 =	slt.u32 s9, $0xF7A;
	s5 =	simm.s32 @!p2 $0x0  }
0x1d: {  	s5 =	simm.s32 @p1 $0x1;
	p0 =	seq.s32 s7, s2  }
0x1e: {  	s7 =	smul.u32 @!p0 $0xF7A, s2;
	p2 =	seq.s32 @!p0 s5, $0x0  }
0x1f: {  	s9 =	smul.u32 $0xF7A, s1;
	s8 =	simm.s32 @!p0 $0x1BF5;
	p2 =	por !p2, p0  }
0x20: {  	[sflag:s8] =	ssyncset.s32 @!p0 $0xFFFFF086;
	s6 =	sadd.s32 @!p0 s3, s7;
	s7 =	simm.s32 @!p0 $0x108  }
0x21: {  	s3 =	sadd.s32 s3, s9;
	s6 =	sadd.s32 @!p0 $0x88, s6;
	s7 =	simm.s32 @p2 $0x1082  }
0x22: {  	[simem:s7], [sflag:s8] =	dma.local @!p0 [hbm:s6], $0xF7A  }
0x23: {  	s9 =	sor.u32 $0xD0000000, s2;
	s6 =	simm.s32 $0x108;
	_ =	swait.ge @!p0 [sflag:s8], $0x0  }
0x24: {  	s3 =	sadd.s32 $0x88, s3;
	s6 =	simm.s32 @!p1 $0x1082;
	[sflag:s4] =	ssyncset.s32 $0xFFFFF086  }
0x25: {  	[simem:s6], [sflag:s4] =	dma.local [hbm:s3], $0xF7A  }
0x26: {  	[smem:$0x3F95] =	sst s1;
	(tag) =	ssettag s2;
	_ =	strace s9  }
0x27: {  	s1 =	sld [smem:$0x3FA5]  }
0x28: {  	s2 =	sld [smem:$0x3FA6]  }
0x29: {  	s4 =	sld [smem:$0x3FA8]  }
0x2a: {  	p0 =	seq.s32 s5, $0x0;
	s5 =	sld [smem:$0x3FA9]  }
0x2b: {  	s6 =	sld [smem:$0x3FAA]  }
0x2c: {  	s7 =	sld [smem:$0x3FAB]  }
0x2d: {  	s3 =	simm.s32 $0x108;
	s8 =	sld [smem:$0x3FAC]  }
0x2e: {  	s3 =	simm.s32 @!p0 $0x1082;
	s9 =	sld [smem:$0x3FAD]  }
0x2f: {  	lr =	sadd.s32 s0, s3;
	s0 =	sld [smem:$0x3FA4]  }
0x30: {  	s3 =	sld [smem:$0x3FA7]  }
0x31: {  	[smem:$0x3FB0] =	sst s10  }
0x32: {  	s10 =	sld [smem:$0x3FAE];
	_ =	sdelay $0x3  }
0x33: {  	p0 =	seq.s32 s10, $0x1;
	s10 =	sld [smem:$0x3FB0];
	_ =	sdelay $0x3  }
0x34: {  	[smem:$0x3FB0] =	sst s10  }
0x35: {  	s10 =	sld [smem:$0x3FAF];
	_ =	sdelay $0x3  }
0x36: {  	p1 =	seq.s32 s10, $0x1;
	s10 =	sld [smem:$0x3FB0];
	_ =	sdelay $0x3  }
0x37: {  	[smem:$0x3FB0] =	sst s10  }
0x38: {  	s10 =	sld [smem:$0x3FB1]  }
0x39: {  	_ = 	snop;
	(pc) =	sbr.ind lr, $3  }
0x3a: {  	_ = 	snop  }
0x3b: {  	_ = 	snop  }
0x3c: {  	p2 =	seq.s32 s10, $0x1;
	s10 =	sld [smem:$0x3FB0]  }
0x3d: {  	_ =	shalt  }
0x3e: {  	_ =	shalt  }
0x3f: {  	_ =	shalt  }
0x40: {  	_ =	shalt  }
0x41: {  	_ =	shalt  }
0x42: {  	_ =	shalt  }
0x43: {  	_ =	shalt  }
0x44: {  	_ =	shalt  }
0x45: {  	_ =	shalt  }
0x46: {  	_ =	shalt  }
0x47: {  	_ =	shalt  }
0x48: {  	_ =	shalt  }
0x49: {  	_ =	shalt  }
0x4a: {  	_ =	shalt  }
0x4b: {  	_ =	shalt  }
0x4c: {  	_ =	shalt  }
0x4d: {  	_ =	shalt  }
0x4e: {  	_ =	shalt  }
0x4f: {  	_ =	shalt  }
0x50: {  	_ =	shalt  }
0x51: {  	_ =	shalt  }
0x52: {  	_ =	shalt  }
0x53: {  	_ =	shalt  }
0x54: {  	_ =	shalt  }
0x55: {  	_ =	shalt  }
0x56: {  	_ =	shalt  }
0x57: {  	_ =	shalt  }
0x58: {  	_ =	shalt  }
0x59: {  	_ =	shalt  }
0x5a: {  	_ =	shalt  }
0x5b: {  	_ =	shalt  }
0x5c: {  	_ =	shalt  }
0x5d: {  	_ =	shalt  }
0x5e: {  	_ =	shalt  }
0x5f: {  	_ =	shalt  }
0x60: {  	_ =	shalt  }
0x61: {  	_ =	shalt  }
0x62: {  	_ =	shalt  }
0x63: {  	_ =	shalt  }
0x64: {  	_ =	shalt  }
0x65: {  	_ =	shalt  }
0x66: {  	_ =	shalt  }
0x67: {  	_ =	shalt  }
0x68: {  	_ =	shalt  }
0x69: {  	_ =	shalt  }
0x6a: {  	_ =	shalt  }
0x6b: {  	_ =	shalt  }
0x6c: {  	_ =	shalt  }
0x6d: {  	_ =	shalt  }
0x6e: {  	_ =	shalt  }
0x6f: {  	_ =	shalt  }
0x70: {  	_ =	shalt  }
0x71: {  	_ =	shalt  }
0x72: {  	_ =	shalt  }
0x73: {  	_ =	shalt  }
0x74: {  	_ =	shalt  }
0x75: {  	_ =	shalt  }
0x76: {  	_ =	shalt  }
0x77: {  	_ =	shalt  }
0x78: {  	_ =	shalt  }
0x79: {  	_ =	shalt  }
0x7a: {  	_ =	shalt  }
0x7b: {  	_ =	shalt  }
0x7c: {  	_ =	shalt  }
0x7d: {  	_ =	shalt  }
0x7e: {  	_ =	shalt  }
0x7f: {  	_ =	shalt  }
0x80: {  	_ =	shalt  }
0x81: {  	_ =	shalt  }
0x82: {  	_ =	shalt  }
0x83: {  	_ =	shalt  }
0x84: {  	_ =	shalt  }
0x85: {  	_ =	shalt  }
0x86: {  	_ =	shalt  }
0x87: {  	_ =	shalt  }
.Lfunc_end0:
.L_simem_size_0:
called_computation.1_lowered:
.L_overlay_start_0:
0x88: {  	s2 =	sld [smem:$0x3FD9]  }
0x89: {  	s3 =	sld [smem:$0x3FFE];
	_ =	sdelay $0x1  }
0x8a: {  	s1 =	srdreg.scid  }
0x8b: {  	s0 =	sand.u32 $0x1, s1  }
0x8c: {  	s17 =	sshll.u32 s0, $0xA;
	s2 =	sadd.s32 s3, s2  }
0x8d: {  	s2 =	sadd.s32 s2, s17  }
0x8e: {  	[smem:$0x3FBC] =	sst s2  }
0x8f: {  	_ = 	snop  }
0x90: {  	s2 =	sld [smem:$0x3FC9];
	(tm) =	ssettm $0x1  }
0x91: {  	s18 =	sld [smem:$0x3FFB];
	_ =	sdelay $0x3  }
0x92: {  	_ =	strace s18  }
0x93: {  	s3 =	sld [smem:$0x3FFC];
	_ =	sdelay $0x3  }
0x94: {  	_ =	strace s3  }
0x95: {  	s3 =	sld [smem:$0x3FFD];
	_ =	sdelay $0x3  }
0x96: {  	_ =	strace s3  }
0x97: {  	_ =	strace $0x8FFFFFFF  }
0x98: {  	s19 =	sld [smem:$0x3FDB];
	_ =	sdelay $0x1  }
0x99: {  	s4 =	simm.s32 $_scs_section_size  }
0x9a: {  	s5 =	simm.s32 $_size__tile_overlayer_lowered;
	s6 =	simm.s32 $_tile_overlayer_lowered  }
0x9b: {  	s22 =	simm.s32 $0x1BFF;
	s21 =	sshll.u32 s6, $0x1;
	s3 =	sadd.s32 s4, s19  }
0x9c: {  	s7 =	simm.s32 $0x0;
	s20 =	sshll.u32 s5, $0x1;
	s5 =	sadd.s32 s21, s3  }
0x9d: {  	[timem:s7], [sflag:s22] =	dma.local [hbm:s5], s20  }
0x9e: {  	_ =	swait.ge [sflag:s22], s20  }
0x9f: {  	s4 =	ssub.s32 $0x0, s20;
	[sflag:s22] =	ssyncset.done $0x0  }
0xa0: {  	[sflag:s22] =	ssyncadd.s32 s4;
	_ =	sdelay $0x1  }
0xa1: {  	s23 =	simm.s32 $0x1B8B  }
0xa2: {  	_ =	swait.ge [sflag:s23], $0x1  }
0xa3: {  	[sflag:s23] =	ssyncset.done $0x0  }
0xa4: {  	s25 =	simm.s32 $0x1B8E;
	s24 =	sld [smem:$0x3FFE];
	[sflag:s23] =	ssyncadd.s32 $0xFFFFFFFF  }
0xa5: {  	s26 =	simm.s32 $execute0_lowered;
	[smem:$0x3FD2] =	sst s25  }
0xa6: {  	s5 =	sshll.u32 s26, $0x1;
	_ =	strace $0x80000049;
	[dreg:$0x1] =	wrdreg $0xFFFFFFFF  }
0xa7: {  	s28 =	simm.s32 $_size_execute0_lowered;
	s3 =	sadd.s32 s3, s5;
	[dreg:$0x0] =	wrdreg $0x0  }
0xa8: {  	s5 =	sshll.u32 s28, $0x1;
	[dreg:$0x2] =	wrdreg s3  }
0xa9: {  	[dreg:$0x3] =	wrdreg s5  }
0xaa: {  	[dreg:$0x4] =	wrdreg $0xC0  }
0xab: {  	_ =	task [dreg:s7], $0x5FFFF  }
0xac: {  	[dreg:$0x1] =	wrdreg $0xFFFFFFFF  }
0xad: {  	[dreg:$0x0] =	wrdreg $0x60  }
0xae: {  	[dreg:$0x2] =	wrdreg s2  }
0xaf: {  	[dreg:$0x3] =	wrdreg s24  }
0xb0: {  	[dreg:$0x4] =	wrdreg $0x82000  }
0xb1: {  	[dreg:$0x5] =	wrdreg $0x9  }
0xb2: {  	_ =	task.clear_ibuf [dreg:s7], $0x6FFFF;
	_ =	strace $0x90000049  }
0xb3: {  	s29 =	simm.s32 $0x9;
	_ =	strace $0x8000004B  }
0xb4: {  	_ =	swait.ge [sflag:s29], $0x1  }
0xb5: {  	[sflag:s29] =	ssyncadd.s32 $0xFFFFFFFF  }
0xb6: {  	_ =	strace $0x9000004B  }
0xb7: {  	_ =	sfence  }
0xb8: {  	s30 =	sld [smem:$0x0];
	_ =	sdelay $0x2  }
0xb9: {  	s31 =	sshll.u32 s1, $0xD;
	s1 =	sshrl.u32 s1, $0x2  }
0xba: {  	s3 =	sand.u32 $0x4000, s31;
	s1 =	sadd.s32 s1, s30  }
0xbb: {  	s0 =	sor.u32 s3, s0;
	s1 =	sshll.u32 s1, $0x11  }
0xbc: {  	s0 =	sor.u32 s1, s0  }
0xbd: {  	s0 =	sadd.s32 $0x8F2B, s0  }
0xbe: {  	[sflag:s0] =	ssyncadd.remote.s32 $0x1  }
0xbf: {  	_ =	sfence.sel $0xFFFF  }
0xc0: {  	[dreg:$0x0] =	wrdreg $0xFFFFFFFF;
	(pc) =	sbr.abs _section_cstart, $3  }
0xc1: {  	[dreg:$0x1] =	wrdreg $0xFFFFFFFF  }
0xc2: {  	_ =	task.clear_ibuf [dreg:s7], $0x2FFFF;
	_ =	strace $0x9FFFFFFF  }
0xc3: {  	(tm) =	ssettm $0x7FFFFFFF  }
tec
execute0_lowered:
.L_overlay_start_1:
0x0: {  	(tag) =	ssettag $0x1  }
0x1: {  	s1 =	rddreg [dreg:$0x0]  }
0x2: {  	s6 =	rddreg [dreg:$0x1]  }
0x3: {  	s2 =	rddreg [dreg:$0x2]  }
0x4: {  	s0 =	rddreg [dreg:$0x3]  }
0x5: {  	s3 =	simm.s32 $0x0;
	s4 =	srdreg.scid;
	s15 =	simm.s32 $0x100  }
0x6: {  	s16 =	simm.s32 $0x4200;
	s17 =	simm.s32 $0x1;
	s18 =	simm.s32 $0x3  }
0x7: {  	s19 =	simm.s32 $0x2;
	s20 =	simm.s32 $0x180;
	s21 =	simm.s32 $0x4  }
0x8: {  	[smem:$0x7FF] =	sst s3;
	s7 =	sand.u32 $0x1, s4;
	s9 =	sadd.s32 $0x5DE00, s6  }
0x9: {  	s5 =	sadd.s32 $0x3800, s6;
	s4 =	stileid.u32;
	s8 =	smul.u32 $0x28000, s7  }
0xa: {  	_ =	strace $0x8000004A;
	s26 =	ssub.s32 $0x2, s7;
	s28 =	smul.u32 $0x50000, s4  }
0xb: {  	s12 =	sshll.u32 s4, $0x6;
	s7 =	sshll.u32 s7, $0x5;
	s23 =	smul.u32 $0x2800, s4  }
0xc: {  	s11 =	sshrl.u32 s26, $0x1;
	s13 =	sor.u32 s7, s12;
	s10 =	sadd.s32 s8, s6  }
0xd: {  	s11 =	ssub.s32 s26, s11;
	s29 =	sshrl.u32 s28, $0x2;
	s6 =	sor.u32 $0x1C05, s12  }
0xe: {  	s7 =	sadd.s32 s9, s13;
	s12 =	sand.u32 $0x380, s12;
	s31 =	sand.u32 $0x60, s13  }
0xf: {  	s13 =	simm.s32 $0x80;
	s14 =	sadd.s32 s29, s2;
	s8 =	sadd.s32 $0x400, s7  }
0x10: {  	s22 =	sadd.s32 $0x85E00, s10;
	s30 =	sadd.s32 s12, s9;
	s9 =	smax.u32 s11, $0x1  }
0x11: {  	s12 =	simm.s32 $0x5;
	s10 =	sadd.s32 s31, s30;
	s11 =	sshrl.u32 s14, $0x3  }
0x12: {  	s14 =	simm.s32 $0x200;
	s22 =	sadd.s32 s23, s22;
	s23 =	simm.s32 $0x0  }
.LBB2_1:
0x13: {  	[spmem:s11], [sflag:s6] =	dma.local [hbm:s5], $0x2800  }
0x14: {  	_ =	swait.ge [sflag:s12], $0x2800  }
0x15: {  	[sflag:s12] =	ssyncset.done $0x0  }
0x16: {  	[sflag:s12] =	ssyncadd.s32 $0xFFFFD800  }
0x17: {  	[bflag:$0x0] =	sbarrier.arrive $0xFFFF  }
0x18: {  	[tilespmem:s3], [sflag:$0x5] =	stream.linear.gather [hbm4b:s7+s3], $0x100, $0x38;
	[tilespmem:$0x1C200] =	vst v63  }
0x19: {  	_ =	swait.ge [sflag:s12], $0x100  }
0x1a: {  	[sflag:s12] =	ssyncset.done $0x0  }
0x1b: {  	[sflag:s12] =	ssyncadd.s32 $0xFFFFFF00  }
0x1c: {  	[tilespmem:s14], [sflag:$0x1] =	stream.indirect.gather [hbm4b:s1+s13], $0x80, s3, s13, $0xb8;
	[tilespmem:$0x1C200] =	vst v63  }
0x1d: {  	_ = 	snop  }
0x1e: {  	[tilespmem:s15], [sflag:$0x5] =	stream.linear.gather [hbm4b:s8+s3], $0x100, $0x38;
	[tilespmem:$0x1C200] =	vst v63  }
0x1f: {  	_ =	swait.ge [sflag:s12], $0x100  }
0x20: {  	[sflag:s12] =	ssyncset.done $0x0  }
0x21: {  	[sflag:s12] =	ssyncadd.s32 $0xFFFFFF00  }
0x22: {  	[tilespmem:s16], [sflag:$0x2] =	stream.indirect.gather [hbm4b:s1+s13], $0x80, s15, s13, $0xb8;
	[tilespmem:$0x1C200] =	vst v63  }
0x23: {  	_ =	swait.ge [sflag:s17], $0x4000  }
0x24: {  	[sflag:s17] =	ssyncset.done $0x0  }
0x25: {  	[sflag:s17] =	ssyncadd.s32 $0xFFFFC000  }
0x26: {  	[spmem:s2] =	stream.indirect.scatter.add.f32 [tilespmem:s14], [sflag:$0x3], $0x80, s13, s13, $0xb8;
	[tilespmem:$0x1C200] =	vst v63  }
0x27: {  	_ =	swait.ge [sflag:s18], $0x4000  }
0x28: {  	s24 =	sadd.s32 $0xFFFEC800, s10;
	[sflag:s18] =	ssyncset.done $0x0  }
0x29: {  	s25 =	sadd.s32 $0x14000, s24;
	[sflag:s18] =	ssyncadd.s32 $0xFFFFC000  }
0x2a: {  	[tilespmem:s3], [sflag:$0x5] =	stream.linear.gather [hbm4b:s25+s3], $0x100, $0x38;
	[tilespmem:$0x1C200] =	vst v63  }
0x2b: {  	_ =	swait.ge [sflag:s12], $0x100  }
0x2c: {  	[sflag:s12] =	ssyncset.done $0x0  }
0x2d: {  	[sflag:s12] =	ssyncadd.s32 $0xFFFFFF00  }
0x2e: {  	[tilespmem:s14], [sflag:$0x1] =	stream.indirect.gather [hbm4b:s1+s13], $0x80, s3, s13, $0xb8;
	[tilespmem:$0x1C200] =	vst v63  }
0x2f: {  	_ =	swait.ge [sflag:s19], $0x4000  }
0x30: {  	[sflag:s19] =	ssyncset.done $0x0  }
0x31: {  	[sflag:s19] =	ssyncadd.s32 $0xFFFFC000  }
0x32: {  	[spmem:s2] =	stream.indirect.scatter.add.f32 [tilespmem:s16], [sflag:$0x4], $0x80, s20, s13, $0xb8;
	[tilespmem:$0x1C200] =	vst v63  }
0x33: {  	_ =	swait.ge [sflag:s21], $0x4000  }
0x34: {  	[sflag:s21] =	ssyncset.done $0x0  }
0x35: {  	s24 =	sadd.s32 $0x14400, s24;
	[sflag:s21] =	ssyncadd.s32 $0xFFFFC000  }
0x36: {  	[tilespmem:s15], [sflag:$0x5] =	stream.linear.gather [hbm4b:s24+s3], $0x100, $0x38;
	[tilespmem:$0x1C200] =	vst v63  }
0x37: {  	_ =	swait.ge [sflag:s12], $0x100  }
0x38: {  	[sflag:s12] =	ssyncset.done $0x0  }
0x39: {  	s24 =	simm.s32 $0xFFFED000;
	[sflag:s12] =	ssyncadd.s32 $0xFFFFFF00  }
.LBB2_2:
0x3a: {  	[tilespmem:s16], [sflag:$0x2] =	stream.indirect.gather [hbm4b:s1+s13], $0x80, s15, s13, $0xb8;
	[tilespmem:$0x1C200] =	vst v63  }
0x3b: {  	s25 =	smov.u32 s24  }
0x3c: {  	p0 =	sne.s32 s24, $0xFFFFF800;
	s24 =	sadd.s32 $0x800, s24;
	_ =	swait.ge [sflag:s17], $0x4000  }
0x3d: {  	[sflag:s17] =	ssyncset.done $0x0  }
0x3e: {  	[sflag:s17] =	ssyncadd.s32 $0xFFFFC000  }
0x3f: {  	[spmem:s2] =	stream.indirect.scatter.add.f32 [tilespmem:s14], [sflag:$0x3], $0x80, s13, s13, $0xb8;
	[tilespmem:$0x1C200] =	vst v63  }
0x40: {  	_ =	swait.ge [sflag:s18], $0x4000  }
0x41: {  	s25 =	sadd.s32 s25, s10;
	[sflag:s18] =	ssyncset.done $0x0  }
0x42: {  	s26 =	sadd.s32 $0x14000, s25;
	[sflag:s18] =	ssyncadd.s32 $0xFFFFC000  }
0x43: {  	[tilespmem:s3], [sflag:$0x5] =	stream.linear.gather [hbm4b:s26+s3], $0x100, $0x38;
	[tilespmem:$0x1C200] =	vst v63  }
0x44: {  	_ =	swait.ge [sflag:s12], $0x100  }
0x45: {  	[sflag:s12] =	ssyncset.done $0x0  }
0x46: {  	[sflag:s12] =	ssyncadd.s32 $0xFFFFFF00  }
0x47: {  	[tilespmem:s14], [sflag:$0x1] =	stream.indirect.gather [hbm4b:s1+s13], $0x80, s3, s13, $0xb8;
	[tilespmem:$0x1C200] =	vst v63  }
0x48: {  	_ =	swait.ge [sflag:s19], $0x4000  }
0x49: {  	[sflag:s19] =	ssyncset.done $0x0  }
0x4a: {  	[sflag:s19] =	ssyncadd.s32 $0xFFFFC000  }
0x4b: {  	[spmem:s2] =	stream.indirect.scatter.add.f32 [tilespmem:s16], [sflag:$0x4], $0x80, s20, s13, $0xb8;
	[tilespmem:$0x1C200] =	vst v63  }
0x4c: {  	_ =	swait.ge [sflag:s21], $0x4000  }
0x4d: {  	[sflag:s21] =	ssyncset.done $0x0  }
.Ltmp0:
0x4e: {  	s25 =	sadd.s32 $0x14400, s25;
	[sflag:s21] =	ssyncadd.s32 $0xFFFFC000;
	(pc) =	sbr.rel @p0 .LBB2_2-.Ltmp0, $4  }
0x4f: {  	[tilespmem:s15], [sflag:$0x5] =	stream.linear.gather [hbm4b:s25+s3], $0x100, $0x38;
	[tilespmem:$0x1C200] =	vst v63  }
0x50: {  	_ =	swait.ge [sflag:s12], $0x100  }
0x51: {  	[sflag:s12] =	ssyncset.done $0x0  }
0x52: {  	[sflag:s12] =	ssyncadd.s32 $0xFFFFFF00  }
0x53: {  	[tilespmem:s16], [sflag:$0x2] =	stream.indirect.gather [hbm4b:s1+s13], $0x80, s15, s13, $0xb8;
	[tilespmem:$0x1C200] =	vst v63  }
0x54: {  	_ =	swait.ge [sflag:s17], $0x4000  }
0x55: {  	[sflag:s17] =	ssyncset.done $0x0  }
0x56: {  	[sflag:s17] =	ssyncadd.s32 $0xFFFFC000  }
0x57: {  	[spmem:s2] =	stream.indirect.scatter.add.f32 [tilespmem:s14], [sflag:$0x3], $0x80, s13, s13, $0xb8;
	[tilespmem:$0x1C200] =	vst v63  }
0x58: {  	_ =	swait.ge [sflag:s19], $0x4000  }
0x59: {  	[sflag:s19] =	ssyncset.done $0x0  }
0x5a: {  	[sflag:s19] =	ssyncadd.s32 $0xFFFFC000  }
0x5b: {  	[spmem:s2] =	stream.indirect.scatter.add.f32 [tilespmem:s16], [sflag:$0x4], $0x80, s20, s13, $0xb8;
	[tilespmem:$0x1C200] =	vst v63  }
0x5c: {  	_ =	swait.ge [sflag:s18], $0x4000  }
0x5d: {  	[sflag:s18] =	ssyncset.done $0x0  }
0x5e: {  	[sflag:s18] =	ssyncadd.s32 $0xFFFFC000  }
0x5f: {  	_ =	swait.ge [sflag:s21], $0x4000  }
0x60: {  	s23 =	sadd.s32 $0x1, s23;
	[sflag:s21] =	ssyncset.done $0x0  }
0x61: {  	p0 =	sne.s32 s23, s9;
	[sflag:s21] =	ssyncadd.s32 $0xFFFFC000  }
.Ltmp1:
0x62: {  	[bflag:$0x0] =	sbarrier.arrive $0xFFFF;
	(pc) =	sbr.rel @p0 .LBB2_1-.Ltmp1, $4  }
0x63: {  	[hbm:s22], [sflag:s6] =	dma.local [spmem:s11], $0x2800  }
0x64: {  	_ =	swait.ge [sflag:s12], $0x2800  }
0x65: {  	[sflag:s12] =	ssyncset.done $0x0  }
0x66: {  	[sflag:s12] =	ssyncadd.s32 $0xFFFFD800  }
0x67: {  	_ =	sfence.sel $0x180000  }
0x68: {  	[bflag:$0x0] =	sbarrier.arrive $0xFFFF  }
0x69: {  	p0 =	sne.s32 s4, $0x0;
	_ =	strace $0x9000004A  }
0x6a: {  	s0 =	sadd.s32 @!p0 $0x100000, s0;
	[bflag:$0x2] =	sbarrier.arrive $0xFFFF  }
0x6b: {  	[sflag:s0] =	ssyncadd.tile.s32 @!p0 $0x1;
	_ =	shalt  }
.Lfunc_end2:
_tile_overlayer_lowered:
.L_overlay_start_2:
0x6c: {  	(tag) =	ssettag $0x2  }
0x6d: {  	s0 =	rddreg [dreg:$0x0];
	s2 =	stileid.u32  }
0x6e: {  	s1 =	rddreg [dreg:$0x1];
	p0 =	sne.s32 s2, $0x0  }
0x6f: {  	s3 =	rddreg [dreg:$0x2];
	[bflag:$0x3] =	sbarrier.arrive $0xFFFF;
	s2 =	simm.s32 @!p0 $0x1C05  }
0x70: {  	[timem:s3], [sflag:s2] =	dma.local @!p0 [hbm:s0], s1  }
0x71: {  	s0 =	simm.s32 @!p0 $0x5  }
0x72: {  	_ =	swait.ge @!p0 [sflag:s0], s1  }
0x73: {  	s1 =	ssub.s32 @!p0 $0x0, s1;
	[sflag:s0] =	ssyncset.done @!p0 $0x0  }
0x74: {  	[sflag:s0] =	ssyncadd.s32 @!p0 s1  }
0x75: {  	[bflag:$0x3] =	sbarrier.arrive $0xFFFF  }
0x76: {  	_ =	shalt  }

// kernel: kernel.15.cloned.1.call-start
scs
__scs_entry_jumppad:
0x0: {  	(pc) =	sbr.rel $0x88, $3  }
0x1: {  	(tag) =	ssettag $0x0;
	lr =	simm.s32 $0x1  }
0x2: {  	[smem:$0x3F95] =	sst lr;
	_ =	strace $0xD0000000  }
0x3: {  	_ = 	snop  }
0x4: {  	_ = 	snop  }
0x5: {  	_ = 	snop  }
0x6: {  	_ = 	snop  }
0x7: {  	_ = 	snop  }
__scs_overlays_trampoline_lowered:
0x8: {  	[smem:$0x3FA4] =	sst s0  }
0x9: {  	[smem:$0x3FA5] =	sst s1  }
0xa: {  	[smem:$0x3FA6] =	sst s2  }
0xb: {  	[smem:$0x3FA7] =	sst s3  }
0xc: {  	[smem:$0x3FA8] =	sst s4  }
0xd: {  	[smem:$0x3FA9] =	sst s5  }
0xe: {  	[smem:$0x3FAA] =	sst s6  }
0xf: {  	[smem:$0x3FAB] =	sst s7  }
0x10: {  	[smem:$0x3FAC] =	sst s8  }
0x11: {  	[smem:$0x3FAD] =	sst s9;
	s0 =	simm.s32 @!p0 $0x0  }
0x12: {  	s1 =	sld [smem:$0x3F93];
	s0 =	simm.s32 @p0 $0x1  }
0x13: {  	[smem:$0x3FAE] =	sst s0;
	s0 =	simm.s32 @!p1 $0x0  }
0x14: {  	s2 =	sld [smem:$0x3F92];
	s0 =	simm.s32 @p1 $0x1  }
0x15: {  	[smem:$0x3FAF] =	sst s0;
	s0 =	simm.s32 @!p2 $0x0  }
0x16: {  	s3 =	sld [smem:$0x3FDB];
	s0 =	simm.s32 @p2 $0x1  }
0x17: {  	s4 =	simm.s32 $0x1BF5;
	[smem:$0x3FB1] =	sst s0  }
0x18: {  	s0 =	sld [smem:$0x3F94];
	_ =	swait.ge [sflag:s4], $0x0  }
0x19: {  	s7 =	sld [smem:$0x3F95]  }
0x1a: {  	s8 =	sadd.s32 $0xFFFFE003, lr  }
0x1b: {  	s9 =	sadd.s32 $0xFFFFFEF7, lr;
	s5 =	simm.s32 $0xFFFFFFFF;
	p2 =	slt.u32 s8, $0xFFFFF086  }
0x1c: {  	p1 =	slt.u32 s9, $0xF7A;
	s5 =	simm.s32 @!p2 $0x0  }
0x1d: {  	s5 =	simm.s32 @p1 $0x1;
	p0 =	seq.s32 s7, s2  }
0x1e: {  	s7 =	smul.u32 @!p0 $0xF7A, s2;
	p2 =	seq.s32 @!p0 s5, $0x0  }
0x1f: {  	s9 =	smul.u32 $0xF7A, s1;
	s8 =	simm.s32 @!p0 $0x1BF5;
	p2 =	por !p2, p0  }
0x20: {  	[sflag:s8] =	ssyncset.s32 @!p0 $0xFFFFF086;
	s6 =	sadd.s32 @!p0 s3, s7;
	s7 =	simm.s32 @!p0 $0x108  }
0x21: {  	s3 =	sadd.s32 s3, s9;
	s6 =	sadd.s32 @!p0 $0x88, s6;
	s7 =	simm.s32 @p2 $0x1082  }
0x22: {  	[simem:s7], [sflag:s8] =	dma.local @!p0 [hbm:s6], $0xF7A  }
0x23: {  	s9 =	sor.u32 $0xD0000000, s2;
	s6 =	simm.s32 $0x108;
	_ =	swait.ge @!p0 [sflag:s8], $0x0  }
0x24: {  	s3 =	sadd.s32 $0x88, s3;
	s6 =	simm.s32 @!p1 $0x1082;
	[sflag:s4] =	ssyncset.s32 $0xFFFFF086  }
0x25: {  	[simem:s6], [sflag:s4] =	dma.local [hbm:s3], $0xF7A  }
0x26: {  	[smem:$0x3F95] =	sst s1;
	(tag) =	ssettag s2;
	_ =	strace s9  }
0x27: {  	s1 =	sld [smem:$0x3FA5]  }
0x28: {  	s2 =	sld [smem:$0x3FA6]  }
0x29: {  	s4 =	sld [smem:$0x3FA8]  }
0x2a: {  	p0 =	seq.s32 s5, $0x0;
	s5 =	sld [smem:$0x3FA9]  }
0x2b: {  	s6 =	sld [smem:$0x3FAA]  }
0x2c: {  	s7 =	sld [smem:$0x3FAB]  }
0x2d: {  	s3 =	simm.s32 $0x108;
	s8 =	sld [smem:$0x3FAC]  }
0x2e: {  	s3 =	simm.s32 @!p0 $0x1082;
	s9 =	sld [smem:$0x3FAD]  }
0x2f: {  	lr =	sadd.s32 s0, s3;
	s0 =	sld [smem:$0x3FA4]  }
0x30: {  	s3 =	sld [smem:$0x3FA7]  }
0x31: {  	[smem:$0x3FB0] =	sst s10  }
0x32: {  	s10 =	sld [smem:$0x3FAE];
	_ =	sdelay $0x3  }
0x33: {  	p0 =	seq.s32 s10, $0x1;
	s10 =	sld [smem:$0x3FB0];
	_ =	sdelay $0x3  }
0x34: {  	[smem:$0x3FB0] =	sst s10  }
0x35: {  	s10 =	sld [smem:$0x3FAF];
	_ =	sdelay $0x3  }
0x36: {  	p1 =	seq.s32 s10, $0x1;
	s10 =	sld [smem:$0x3FB0];
	_ =	sdelay $0x3  }
0x37: {  	[smem:$0x3FB0] =	sst s10  }
0x38: {  	s10 =	sld [smem:$0x3FB1]  }
0x39: {  	_ = 	snop;
	(pc) =	sbr.ind lr, $3  }
0x3a: {  	_ = 	snop  }
0x3b: {  	_ = 	snop  }
0x3c: {  	p2 =	seq.s32 s10, $0x1;
	s10 =	sld [smem:$0x3FB0]  }
0x3d: {  	_ =	shalt  }
0x3e: {  	_ =	shalt  }
0x3f: {  	_ =	shalt  }
0x40: {  	_ =	shalt  }
0x41: {  	_ =	shalt  }
0x42: {  	_ =	shalt  }
0x43: {  	_ =	shalt  }
0x44: {  	_ =	shalt  }
0x45: {  	_ =	shalt  }
0x46: {  	_ =	shalt  }
0x47: {  	_ =	shalt  }
0x48: {  	_ =	shalt  }
0x49: {  	_ =	shalt  }
0x4a: {  	_ =	shalt  }
0x4b: {  	_ =	shalt  }
0x4c: {  	_ =	shalt  }
0x4d: {  	_ =	shalt  }
0x4e: {  	_ =	shalt  }
0x4f: {  	_ =	shalt  }
0x50: {  	_ =	shalt  }
0x51: {  	_ =	shalt  }
0x52: {  	_ =	shalt  }
0x53: {  	_ =	shalt  }
0x54: {  	_ =	shalt  }
0x55: {  	_ =	shalt  }
0x56: {  	_ =	shalt  }
0x57: {  	_ =	shalt  }
0x58: {  	_ =	shalt  }
0x59: {  	_ =	shalt  }
0x5a: {  	_ =	shalt  }
0x5b: {  	_ =	shalt  }
0x5c: {  	_ =	shalt  }
0x5d: {  	_ =	shalt  }
0x5e: {  	_ =	shalt  }
0x5f: {  	_ =	shalt  }
0x60: {  	_ =	shalt  }
0x61: {  	_ =	shalt  }
0x62: {  	_ =	shalt  }
0x63: {  	_ =	shalt  }
0x64: {  	_ =	shalt  }
0x65: {  	_ =	shalt  }
0x66: {  	_ =	shalt  }
0x67: {  	_ =	shalt  }
0x68: {  	_ =	shalt  }
0x69: {  	_ =	shalt  }
0x6a: {  	_ =	shalt  }
0x6b: {  	_ =	shalt  }
0x6c: {  	_ =	shalt  }
0x6d: {  	_ =	shalt  }
0x6e: {  	_ =	shalt  }
0x6f: {  	_ =	shalt  }
0x70: {  	_ =	shalt  }
0x71: {  	_ =	shalt  }
0x72: {  	_ =	shalt  }
0x73: {  	_ =	shalt  }
0x74: {  	_ =	shalt  }
0x75: {  	_ =	shalt  }
0x76: {  	_ =	shalt  }
0x77: {  	_ =	shalt  }
0x78: {  	_ =	shalt  }
0x79: {  	_ =	shalt  }
0x7a: {  	_ =	shalt  }
0x7b: {  	_ =	shalt  }
0x7c: {  	_ =	shalt  }
0x7d: {  	_ =	shalt  }
0x7e: {  	_ =	shalt  }
0x7f: {  	_ =	shalt  }
0x80: {  	_ =	shalt  }
0x81: {  	_ =	shalt  }
0x82: {  	_ =	shalt  }
0x83: {  	_ =	shalt  }
0x84: {  	_ =	shalt  }
0x85: {  	_ =	shalt  }
0x86: {  	_ =	shalt  }
0x87: {  	_ =	shalt  }
.Lfunc_end0:
.L_simem_size_0:
called_computation.2_lowered:
.L_overlay_start_0:
0x88: {  	s2 =	sld [smem:$0x3FD9]  }
0x89: {  	s3 =	sld [smem:$0x3FFE];
	_ =	sdelay $0x1  }
0x8a: {  	s1 =	srdreg.scid  }
0x8b: {  	s0 =	sand.u32 $0x1, s1  }
0x8c: {  	s17 =	sshll.u32 s0, $0xA;
	s2 =	sadd.s32 s3, s2  }
0x8d: {  	s2 =	sadd.s32 s2, s17  }
0x8e: {  	[smem:$0x3FBC] =	sst s2  }
0x8f: {  	_ = 	snop  }
0x90: {  	s2 =	sld [smem:$0x3FD0];
	(tm) =	ssettm $0x1  }
0x91: {  	s18 =	sld [smem:$0x3FFB];
	_ =	sdelay $0x3  }
0x92: {  	_ =	strace s18  }
0x93: {  	s3 =	sld [smem:$0x3FFC];
	_ =	sdelay $0x3  }
0x94: {  	_ =	strace s3  }
0x95: {  	s3 =	sld [smem:$0x3FFD];
	_ =	sdelay $0x3  }
0x96: {  	_ =	strace s3  }
0x97: {  	_ =	strace $0x8FFFFFFF  }
0x98: {  	s19 =	sld [smem:$0x3FDB];
	_ =	sdelay $0x1  }
0x99: {  	s4 =	simm.s32 $_scs_section_size  }
0x9a: {  	s5 =	simm.s32 $_size__tile_overlayer_lowered;
	s6 =	simm.s32 $_tile_overlayer_lowered  }
0x9b: {  	s22 =	simm.s32 $0x1BFF;
	s21 =	sshll.u32 s6, $0x1;
	s3 =	sadd.s32 s4, s19  }
0x9c: {  	s7 =	simm.s32 $0x0;
	s20 =	sshll.u32 s5, $0x1;
	s5 =	sadd.s32 s21, s3  }
0x9d: {  	[timem:s7], [sflag:s22] =	dma.local [hbm:s5], s20  }
0x9e: {  	_ =	swait.ge [sflag:s22], s20  }
0x9f: {  	s4 =	ssub.s32 $0x0, s20;
	[sflag:s22] =	ssyncset.done $0x0  }
0xa0: {  	[sflag:s22] =	ssyncadd.s32 s4;
	_ =	sdelay $0x1  }
0xa1: {  	s23 =	simm.s32 $0x1B8B  }
0xa2: {  	_ =	swait.ge [sflag:s23], $0x1  }
0xa3: {  	[sflag:s23] =	ssyncset.done $0x0  }
0xa4: {  	s25 =	simm.s32 $0x1B8E;
	s24 =	sld [smem:$0x3FFE];
	[sflag:s23] =	ssyncadd.s32 $0xFFFFFFFF  }
0xa5: {  	s26 =	simm.s32 $execute0_lowered;
	[smem:$0x3FD2] =	sst s25  }
0xa6: {  	s5 =	sshll.u32 s26, $0x1;
	_ =	strace $0x8000004C;
	[dreg:$0x1] =	wrdreg $0xFFFFFFFF  }
0xa7: {  	s28 =	simm.s32 $_size_execute0_lowered;
	s3 =	sadd.s32 s3, s5;
	[dreg:$0x0] =	wrdreg $0x0  }
0xa8: {  	s5 =	sshll.u32 s28, $0x1;
	[dreg:$0x2] =	wrdreg s3  }
0xa9: {  	[dreg:$0x3] =	wrdreg s5  }
0xaa: {  	[dreg:$0x4] =	wrdreg $0xC0  }
0xab: {  	_ =	task [dreg:s7], $0x5FFFF  }
0xac: {  	[dreg:$0x1] =	wrdreg $0xFFFFFFFF  }
0xad: {  	[dreg:$0x0] =	wrdreg $0x60  }
0xae: {  	[dreg:$0x2] =	wrdreg s24  }
0xaf: {  	[dreg:$0x3] =	wrdreg s2  }
0xb0: {  	[dreg:$0x4] =	wrdreg $0x82000  }
0xb1: {  	[dreg:$0x5] =	wrdreg $0x9  }
0xb2: {  	_ =	task.clear_ibuf [dreg:s7], $0x6FFFF;
	_ =	strace $0x9000004C  }
0xb3: {  	s29 =	simm.s32 $0x9;
	_ =	strace $0x8000004E  }
0xb4: {  	_ =	swait.ge [sflag:s29], $0x1  }
0xb5: {  	[sflag:s29] =	ssyncadd.s32 $0xFFFFFFFF  }
0xb6: {  	_ =	strace $0x9000004E  }
0xb7: {  	_ =	sfence  }
0xb8: {  	s30 =	sld [smem:$0x0];
	_ =	sdelay $0x2  }
0xb9: {  	s31 =	sshll.u32 s1, $0xD;
	s1 =	sshrl.u32 s1, $0x2  }
0xba: {  	s3 =	sand.u32 $0x4000, s31;
	s1 =	sadd.s32 s1, s30  }
0xbb: {  	s0 =	sor.u32 s3, s0;
	s1 =	sshll.u32 s1, $0x11  }
0xbc: {  	s0 =	sor.u32 s1, s0  }
0xbd: {  	s0 =	sadd.s32 $0x8F2B, s0  }
0xbe: {  	[sflag:s0] =	ssyncadd.remote.s32 $0x1  }
0xbf: {  	_ =	sfence.sel $0xFFFF  }
0xc0: {  	[dreg:$0x0] =	wrdreg $0xFFFFFFFF;
	(pc) =	sbr.abs _section_cstart, $3  }
0xc1: {  	[dreg:$0x1] =	wrdreg $0xFFFFFFFF  }
0xc2: {  	_ =	task.clear_ibuf [dreg:s7], $0x2FFFF;
	_ =	strace $0x9FFFFFFF  }
0xc3: {  	(tm) =	ssettm $0x7FFFFFFF  }
tec
execute0_lowered:
.L_overlay_start_1:
0x0: {  	(tag) =	ssettag $0x1  }
0x1: {  	s6 =	rddreg [dreg:$0x0]  }
0x2: {  	s1 =	rddreg [dreg:$0x1]  }
0x3: {  	s2 =	rddreg [dreg:$0x2]  }
0x4: {  	s0 =	rddreg [dreg:$0x3]  }
0x5: {  	s3 =	simm.s32 $0x0;
	s4 =	srdreg.scid;
	s15 =	simm.s32 $0x100  }
0x6: {  	s16 =	simm.s32 $0x4200;
	s17 =	simm.s32 $0x1;
	s18 =	simm.s32 $0x3  }
0x7: {  	s19 =	simm.s32 $0x2;
	s20 =	simm.s32 $0x180;
	s21 =	simm.s32 $0x4  }
0x8: {  	[smem:$0x7FF] =	sst s3;
	s7 =	sand.u32 $0x1, s4;
	s5 =	sadd.s32 $0x85E00, s6  }
0x9: {  	s9 =	sadd.s32 $0x5DE00, s6;
	s4 =	stileid.u32;
	s8 =	smul.u32 $0x28000, s7  }
0xa: {  	_ =	strace $0x8000004D;
	s26 =	ssub.s32 $0x2, s7;
	s28 =	smul.u32 $0x50000, s4  }
0xb: {  	s12 =	sshll.u32 s4, $0x6;
	s7 =	sshll.u32 s7, $0x5;
	s23 =	smul.u32 $0x2800, s4  }
0xc: {  	s11 =	sshrl.u32 s26, $0x1;
	s13 =	sor.u32 s7, s12;
	s10 =	sadd.s32 s8, s6  }
0xd: {  	s11 =	ssub.s32 s26, s11;
	s29 =	sshrl.u32 s28, $0x2;
	s6 =	sor.u32 $0x1C05, s12  }
0xe: {  	s7 =	sadd.s32 s9, s13;
	s12 =	sand.u32 $0x380, s12;
	s31 =	sand.u32 $0x60, s13  }
0xf: {  	s13 =	simm.s32 $0x80;
	s14 =	sadd.s32 s29, s2;
	s8 =	sadd.s32 $0x400, s7  }
0x10: {  	s22 =	sadd.s32 $0xAD000, s10;
	s30 =	sadd.s32 s12, s9;
	s9 =	smax.u32 s11, $0x1  }
0x11: {  	s12 =	simm.s32 $0x5;
	s10 =	sadd.s32 s31, s30;
	s11 =	sshrl.u32 s14, $0x3  }
0x12: {  	s14 =	simm.s32 $0x200;
	s22 =	sadd.s32 s23, s22;
	s23 =	simm.s32 $0x0  }
.LBB2_1:
0x13: {  	[spmem:s11], [sflag:s6] =	dma.local [hbm:s1], $0x2800  }
0x14: {  	_ =	swait.ge [sflag:s12], $0x2800  }
0x15: {  	[sflag:s12] =	ssyncset.done $0x0  }
0x16: {  	[sflag:s12] =	ssyncadd.s32 $0xFFFFD800  }
0x17: {  	[bflag:$0x0] =	sbarrier.arrive $0xFFFF  }
0x18: {  	[tilespmem:s3], [sflag:$0x5] =	stream.linear.gather [hbm4b:s7+s3], $0x100, $0x38;
	[tilespmem:$0x1C200] =	vst v63  }
0x19: {  	_ =	swait.ge [sflag:s12], $0x100  }
0x1a: {  	[sflag:s12] =	ssyncset.done $0x0  }
0x1b: {  	[sflag:s12] =	ssyncadd.s32 $0xFFFFFF00  }
0x1c: {  	[tilespmem:s14], [sflag:$0x1] =	stream.indirect.gather [hbm4b:s5+s13], $0x80, s3, s13, $0xb8;
	[tilespmem:$0x1C200] =	vst v63  }
0x1d: {  	_ = 	snop  }
0x1e: {  	[tilespmem:s15], [sflag:$0x5] =	stream.linear.gather [hbm4b:s8+s3], $0x100, $0x38;
	[tilespmem:$0x1C200] =	vst v63  }
0x1f: {  	_ =	swait.ge [sflag:s12], $0x100  }
0x20: {  	[sflag:s12] =	ssyncset.done $0x0  }
0x21: {  	[sflag:s12] =	ssyncadd.s32 $0xFFFFFF00  }
0x22: {  	[tilespmem:s16], [sflag:$0x2] =	stream.indirect.gather [hbm4b:s5+s13], $0x80, s15, s13, $0xb8;
	[tilespmem:$0x1C200] =	vst v63  }
0x23: {  	_ =	swait.ge [sflag:s17], $0x4000  }
0x24: {  	[sflag:s17] =	ssyncset.done $0x0  }
0x25: {  	[sflag:s17] =	ssyncadd.s32 $0xFFFFC000  }
0x26: {  	[spmem:s2] =	stream.indirect.scatter.add.f32 [tilespmem:s14], [sflag:$0x3], $0x80, s13, s13, $0xb8;
	[tilespmem:$0x1C200] =	vst v63  }
0x27: {  	_ =	swait.ge [sflag:s18], $0x4000  }
0x28: {  	s24 =	sadd.s32 $0xFFFEC800, s10;
	[sflag:s18] =	ssyncset.done $0x0  }
0x29: {  	s25 =	sadd.s32 $0x14000, s24;
	[sflag:s18] =	ssyncadd.s32 $0xFFFFC000  }
0x2a: {  	[tilespmem:s3], [sflag:$0x5] =	stream.linear.gather [hbm4b:s25+s3], $0x100, $0x38;
	[tilespmem:$0x1C200] =	vst v63  }
0x2b: {  	_ =	swait.ge [sflag:s12], $0x100  }
0x2c: {  	[sflag:s12] =	ssyncset.done $0x0  }
0x2d: {  	[sflag:s12] =	ssyncadd.s32 $0xFFFFFF00  }
0x2e: {  	[tilespmem:s14], [sflag:$0x1] =	stream.indirect.gather [hbm4b:s5+s13], $0x80, s3, s13, $0xb8;
	[tilespmem:$0x1C200] =	vst v63  }
0x2f: {  	_ =	swait.ge [sflag:s19], $0x4000  }
0x30: {  	[sflag:s19] =	ssyncset.done $0x0  }
0x31: {  	[sflag:s19] =	ssyncadd.s32 $0xFFFFC000  }
0x32: {  	[spmem:s2] =	stream.indirect.scatter.add.f32 [tilespmem:s16], [sflag:$0x4], $0x80, s20, s13, $0xb8;
	[tilespmem:$0x1C200] =	vst v63  }
0x33: {  	_ =	swait.ge [sflag:s21], $0x4000  }
0x34: {  	[sflag:s21] =	ssyncset.done $0x0  }
0x35: {  	s24 =	sadd.s32 $0x14400, s24;
	[sflag:s21] =	ssyncadd.s32 $0xFFFFC000  }
0x36: {  	[tilespmem:s15], [sflag:$0x5] =	stream.linear.gather [hbm4b:s24+s3], $0x100, $0x38;
	[tilespmem:$0x1C200] =	vst v63  }
0x37: {  	_ =	swait.ge [sflag:s12], $0x100  }
0x38: {  	[sflag:s12] =	ssyncset.done $0x0  }
0x39: {  	s24 =	simm.s32 $0xFFFED000;
	[sflag:s12] =	ssyncadd.s32 $0xFFFFFF00  }
.LBB2_2:
0x3a: {  	[tilespmem:s16], [sflag:$0x2] =	stream.indirect.gather [hbm4b:s5+s13], $0x80, s15, s13, $0xb8;
	[tilespmem:$0x1C200] =	vst v63  }
0x3b: {  	s25 =	smov.u32 s24  }
0x3c: {  	p0 =	sne.s32 s24, $0xFFFFF800;
	s24 =	sadd.s32 $0x800, s24;
	_ =	swait.ge [sflag:s17], $0x4000  }
0x3d: {  	[sflag:s17] =	ssyncset.done $0x0  }
0x3e: {  	[sflag:s17] =	ssyncadd.s32 $0xFFFFC000  }
0x3f: {  	[spmem:s2] =	stream.indirect.scatter.add.f32 [tilespmem:s14], [sflag:$0x3], $0x80, s13, s13, $0xb8;
	[tilespmem:$0x1C200] =	vst v63  }
0x40: {  	_ =	swait.ge [sflag:s18], $0x4000  }
0x41: {  	s25 =	sadd.s32 s25, s10;
	[sflag:s18] =	ssyncset.done $0x0  }
0x42: {  	s26 =	sadd.s32 $0x14000, s25;
	[sflag:s18] =	ssyncadd.s32 $0xFFFFC000  }
0x43: {  	[tilespmem:s3], [sflag:$0x5] =	stream.linear.gather [hbm4b:s26+s3], $0x100, $0x38;
	[tilespmem:$0x1C200] =	vst v63  }
0x44: {  	_ =	swait.ge [sflag:s12], $0x100  }
0x45: {  	[sflag:s12] =	ssyncset.done $0x0  }
0x46: {  	[sflag:s12] =	ssyncadd.s32 $0xFFFFFF00  }
0x47: {  	[tilespmem:s14], [sflag:$0x1] =	stream.indirect.gather [hbm4b:s5+s13], $0x80, s3, s13, $0xb8;
	[tilespmem:$0x1C200] =	vst v63  }
0x48: {  	_ =	swait.ge [sflag:s19], $0x4000  }
0x49: {  	[sflag:s19] =	ssyncset.done $0x0  }
0x4a: {  	[sflag:s19] =	ssyncadd.s32 $0xFFFFC000  }
0x4b: {  	[spmem:s2] =	stream.indirect.scatter.add.f32 [tilespmem:s16], [sflag:$0x4], $0x80, s20, s13, $0xb8;
	[tilespmem:$0x1C200] =	vst v63  }
0x4c: {  	_ =	swait.ge [sflag:s21], $0x4000  }
0x4d: {  	[sflag:s21] =	ssyncset.done $0x0  }
.Ltmp0:
0x4e: {  	s25 =	sadd.s32 $0x14400, s25;
	[sflag:s21] =	ssyncadd.s32 $0xFFFFC000;
	(pc) =	sbr.rel @p0 .LBB2_2-.Ltmp0, $4  }
0x4f: {  	[tilespmem:s15], [sflag:$0x5] =	stream.linear.gather [hbm4b:s25+s3], $0x100, $0x38;
	[tilespmem:$0x1C200] =	vst v63  }
0x50: {  	_ =	swait.ge [sflag:s12], $0x100  }
0x51: {  	[sflag:s12] =	ssyncset.done $0x0  }
0x52: {  	[sflag:s12] =	ssyncadd.s32 $0xFFFFFF00  }
0x53: {  	[tilespmem:s16], [sflag:$0x2] =	stream.indirect.gather [hbm4b:s5+s13], $0x80, s15, s13, $0xb8;
	[tilespmem:$0x1C200] =	vst v63  }
0x54: {  	_ =	swait.ge [sflag:s17], $0x4000  }
0x55: {  	[sflag:s17] =	ssyncset.done $0x0  }
0x56: {  	[sflag:s17] =	ssyncadd.s32 $0xFFFFC000  }
0x57: {  	[spmem:s2] =	stream.indirect.scatter.add.f32 [tilespmem:s14], [sflag:$0x3], $0x80, s13, s13, $0xb8;
	[tilespmem:$0x1C200] =	vst v63  }
0x58: {  	_ =	swait.ge [sflag:s19], $0x4000  }
0x59: {  	[sflag:s19] =	ssyncset.done $0x0  }
0x5a: {  	[sflag:s19] =	ssyncadd.s32 $0xFFFFC000  }
0x5b: {  	[spmem:s2] =	stream.indirect.scatter.add.f32 [tilespmem:s16], [sflag:$0x4], $0x80, s20, s13, $0xb8;
	[tilespmem:$0x1C200] =	vst v63  }
0x5c: {  	_ =	swait.ge [sflag:s18], $0x4000  }
0x5d: {  	[sflag:s18] =	ssyncset.done $0x0  }
0x5e: {  	[sflag:s18] =	ssyncadd.s32 $0xFFFFC000  }
0x5f: {  	_ =	swait.ge [sflag:s21], $0x4000  }
0x60: {  	s23 =	sadd.s32 $0x1, s23;
	[sflag:s21] =	ssyncset.done $0x0  }
0x61: {  	p0 =	sne.s32 s23, s9;
	[sflag:s21] =	ssyncadd.s32 $0xFFFFC000  }
.Ltmp1:
0x62: {  	[bflag:$0x0] =	sbarrier.arrive $0xFFFF;
	(pc) =	sbr.rel @p0 .LBB2_1-.Ltmp1, $4  }
0x63: {  	[hbm:s22], [sflag:s6] =	dma.local [spmem:s11], $0x2800  }
0x64: {  	_ =	swait.ge [sflag:s12], $0x2800  }
0x65: {  	[sflag:s12] =	ssyncset.done $0x0  }
0x66: {  	[sflag:s12] =	ssyncadd.s32 $0xFFFFD800  }
0x67: {  	_ =	sfence.sel $0x180000  }
0x68: {  	[bflag:$0x0] =	sbarrier.arrive $0xFFFF  }
0x69: {  	p0 =	sne.s32 s4, $0x0;
	_ =	strace $0x9000004D  }
0x6a: {  	s0 =	sadd.s32 @!p0 $0x100000, s0;
	[bflag:$0x2] =	sbarrier.arrive $0xFFFF  }
0x6b: {  	[sflag:s0] =	ssyncadd.tile.s32 @!p0 $0x1;
	_ =	shalt  }
.Lfunc_end2:
_tile_overlayer_lowered:
.L_overlay_start_2:
0x6c: {  	(tag) =	ssettag $0x2  }
0x6d: {  	s0 =	rddreg [dreg:$0x0];
	s2 =	stileid.u32  }
0x6e: {  	s1 =	rddreg [dreg:$0x1];
	p0 =	sne.s32 s2, $0x0  }
0x6f: {  	s3 =	rddreg [dreg:$0x2];
	[bflag:$0x3] =	sbarrier.arrive $0xFFFF;
	s2 =	simm.s32 @!p0 $0x1C05  }
0x70: {  	[timem:s3], [sflag:s2] =	dma.local @!p0 [hbm:s0], s1  }
0x71: {  	s0 =	simm.s32 @!p0 $0x5  }
0x72: {  	_ =	swait.ge @!p0 [sflag:s0], s1  }
0x73: {  	s1 =	ssub.s32 @!p0 $0x0, s1;
	[sflag:s0] =	ssyncset.done @!p0 $0x0  }
0x74: {  	[sflag:s0] =	ssyncadd.s32 @!p0 s1  }
0x75: {  	[bflag:$0x3] =	sbarrier.arrive $0xFFFF  }
0x76: {  	_ =	shalt  }

// kernel: kernel.18.cloned.1.call-start
scs
__scs_entry_jumppad:
0x0: {  	(pc) =	sbr.rel $0x88, $3  }
0x1: {  	(tag) =	ssettag $0x0;
	lr =	simm.s32 $0x1  }
0x2: {  	[smem:$0x3F95] =	sst lr;
	_ =	strace $0xD0000000  }
0x3: {  	_ = 	snop  }
0x4: {  	_ = 	snop  }
0x5: {  	_ = 	snop  }
0x6: {  	_ = 	snop  }
0x7: {  	_ = 	snop  }
__scs_overlays_trampoline_lowered:
0x8: {  	[smem:$0x3FA4] =	sst s0  }
0x9: {  	[smem:$0x3FA5] =	sst s1  }
0xa: {  	[smem:$0x3FA6] =	sst s2  }
0xb: {  	[smem:$0x3FA7] =	sst s3  }
0xc: {  	[smem:$0x3FA8] =	sst s4  }
0xd: {  	[smem:$0x3FA9] =	sst s5  }
0xe: {  	[smem:$0x3FAA] =	sst s6  }
0xf: {  	[smem:$0x3FAB] =	sst s7  }
0x10: {  	[smem:$0x3FAC] =	sst s8  }
0x11: {  	[smem:$0x3FAD] =	sst s9;
	s0 =	simm.s32 @!p0 $0x0  }
0x12: {  	s1 =	sld [smem:$0x3F93];
	s0 =	simm.s32 @p0 $0x1  }
0x13: {  	[smem:$0x3FAE] =	sst s0;
	s0 =	simm.s32 @!p1 $0x0  }
0x14: {  	s2 =	sld [smem:$0x3F92];
	s0 =	simm.s32 @p1 $0x1  }
0x15: {  	[smem:$0x3FAF] =	sst s0;
	s0 =	simm.s32 @!p2 $0x0  }
0x16: {  	s3 =	sld [smem:$0x3FDB];
	s0 =	simm.s32 @p2 $0x1  }
0x17: {  	s4 =	simm.s32 $0x1BF5;
	[smem:$0x3FB1] =	sst s0  }
0x18: {  	s0 =	sld [smem:$0x3F94];
	_ =	swait.ge [sflag:s4], $0x0  }
0x19: {  	s7 =	sld [smem:$0x3F95]  }
0x1a: {  	s8 =	sadd.s32 $0xFFFFE003, lr  }
0x1b: {  	s9 =	sadd.s32 $0xFFFFFEF7, lr;
	s5 =	simm.s32 $0xFFFFFFFF;
	p2 =	slt.u32 s8, $0xFFFFF086  }
0x1c: {  	p1 =	slt.u32 s9, $0xF7A;
	s5 =	simm.s32 @!p2 $0x0  }
0x1d: {  	s5 =	simm.s32 @p1 $0x1;
	p0 =	seq.s32 s7, s2  }
0x1e: {  	s7 =	smul.u32 @!p0 $0xF7A, s2;
	p2 =	seq.s32 @!p0 s5, $0x0  }
0x1f: {  	s9 =	smul.u32 $0xF7A, s1;
	s8 =	simm.s32 @!p0 $0x1BF5;
	p2 =	por !p2, p0  }
0x20: {  	[sflag:s8] =	ssyncset.s32 @!p0 $0xFFFFF086;
	s6 =	sadd.s32 @!p0 s3, s7;
	s7 =	simm.s32 @!p0 $0x108  }
0x21: {  	s3 =	sadd.s32 s3, s9;
	s6 =	sadd.s32 @!p0 $0x88, s6;
	s7 =	simm.s32 @p2 $0x1082  }
0x22: {  	[simem:s7], [sflag:s8] =	dma.local @!p0 [hbm:s6], $0xF7A  }
0x23: {  	s9 =	sor.u32 $0xD0000000, s2;
	s6 =	simm.s32 $0x108;
	_ =	swait.ge @!p0 [sflag:s8], $0x0  }
0x24: {  	s3 =	sadd.s32 $0x88, s3;
	s6 =	simm.s32 @!p1 $0x1082;
	[sflag:s4] =	ssyncset.s32 $0xFFFFF086  }
0x25: {  	[simem:s6], [sflag:s4] =	dma.local [hbm:s3], $0xF7A  }
0x26: {  	[smem:$0x3F95] =	sst s1;
	(tag) =	ssettag s2;
	_ =	strace s9  }
0x27: {  	s1 =	sld [smem:$0x3FA5]  }
0x28: {  	s2 =	sld [smem:$0x3FA6]  }
0x29: {  	s4 =	sld [smem:$0x3FA8]  }
0x2a: {  	p0 =	seq.s32 s5, $0x0;
	s5 =	sld [smem:$0x3FA9]  }
0x2b: {  	s6 =	sld [smem:$0x3FAA]  }
0x2c: {  	s7 =	sld [smem:$0x3FAB]  }
0x2d: {  	s3 =	simm.s32 $0x108;
	s8 =	sld [smem:$0x3FAC]  }
0x2e: {  	s3 =	simm.s32 @!p0 $0x1082;
	s9 =	sld [smem:$0x3FAD]  }
0x2f: {  	lr =	sadd.s32 s0, s3;
	s0 =	sld [smem:$0x3FA4]  }
0x30: {  	s3 =	sld [smem:$0x3FA7]  }
0x31: {  	[smem:$0x3FB0] =	sst s10  }
0x32: {  	s10 =	sld [smem:$0x3FAE];
	_ =	sdelay $0x3  }
0x33: {  	p0 =	seq.s32 s10, $0x1;
	s10 =	sld [smem:$0x3FB0];
	_ =	sdelay $0x3  }
0x34: {  	[smem:$0x3FB0] =	sst s10  }
0x35: {  	s10 =	sld [smem:$0x3FAF];
	_ =	sdelay $0x3  }
0x36: {  	p1 =	seq.s32 s10, $0x1;
	s10 =	sld [smem:$0x3FB0];
	_ =	sdelay $0x3  }
0x37: {  	[smem:$0x3FB0] =	sst s10  }
0x38: {  	s10 =	sld [smem:$0x3FB1]  }
0x39: {  	_ = 	snop;
	(pc) =	sbr.ind lr, $3  }
0x3a: {  	_ = 	snop  }
0x3b: {  	_ = 	snop  }
0x3c: {  	p2 =	seq.s32 s10, $0x1;
	s10 =	sld [smem:$0x3FB0]  }
0x3d: {  	_ =	shalt  }
0x3e: {  	_ =	shalt  }
0x3f: {  	_ =	shalt  }
0x40: {  	_ =	shalt  }
0x41: {  	_ =	shalt  }
0x42: {  	_ =	shalt  }
0x43: {  	_ =	shalt  }
0x44: {  	_ =	shalt  }
0x45: {  	_ =	shalt  }
0x46: {  	_ =	shalt  }
0x47: {  	_ =	shalt  }
0x48: {  	_ =	shalt  }
0x49: {  	_ =	shalt  }
0x4a: {  	_ =	shalt  }
0x4b: {  	_ =	shalt  }
0x4c: {  	_ =	shalt  }
0x4d: {  	_ =	shalt  }
0x4e: {  	_ =	shalt  }
0x4f: {  	_ =	shalt  }
0x50: {  	_ =	shalt  }
0x51: {  	_ =	shalt  }
0x52: {  	_ =	shalt  }
0x53: {  	_ =	shalt  }
0x54: {  	_ =	shalt  }
0x55: {  	_ =	shalt  }
0x56: {  	_ =	shalt  }
0x57: {  	_ =	shalt  }
0x58: {  	_ =	shalt  }
0x59: {  	_ =	shalt  }
0x5a: {  	_ =	shalt  }
0x5b: {  	_ =	shalt  }
0x5c: {  	_ =	shalt  }
0x5d: {  	_ =	shalt  }
0x5e: {  	_ =	shalt  }
0x5f: {  	_ =	shalt  }
0x60: {  	_ =	shalt  }
0x61: {  	_ =	shalt  }
0x62: {  	_ =	shalt  }
0x63: {  	_ =	shalt  }
0x64: {  	_ =	shalt  }
0x65: {  	_ =	shalt  }
0x66: {  	_ =	shalt  }
0x67: {  	_ =	shalt  }
0x68: {  	_ =	shalt  }
0x69: {  	_ =	shalt  }
0x6a: {  	_ =	shalt  }
0x6b: {  	_ =	shalt  }
0x6c: {  	_ =	shalt  }
0x6d: {  	_ =	shalt  }
0x6e: {  	_ =	shalt  }
0x6f: {  	_ =	shalt  }
0x70: {  	_ =	shalt  }
0x71: {  	_ =	shalt  }
0x72: {  	_ =	shalt  }
0x73: {  	_ =	shalt  }
0x74: {  	_ =	shalt  }
0x75: {  	_ =	shalt  }
0x76: {  	_ =	shalt  }
0x77: {  	_ =	shalt  }
0x78: {  	_ =	shalt  }
0x79: {  	_ =	shalt  }
0x7a: {  	_ =	shalt  }
0x7b: {  	_ =	shalt  }
0x7c: {  	_ =	shalt  }
0x7d: {  	_ =	shalt  }
0x7e: {  	_ =	shalt  }
0x7f: {  	_ =	shalt  }
0x80: {  	_ =	shalt  }
0x81: {  	_ =	shalt  }
0x82: {  	_ =	shalt  }
0x83: {  	_ =	shalt  }
0x84: {  	_ =	shalt  }
0x85: {  	_ =	shalt  }
0x86: {  	_ =	shalt  }
0x87: {  	_ =	shalt  }
.Lfunc_end0:
.L_simem_size_0:
called_computation.3_lowered:
.L_overlay_start_0:
0x88: {  	s2 =	sld [smem:$0x3FD9]  }
0x89: {  	s3 =	sld [smem:$0x3FFE];
	_ =	sdelay $0x1  }
0x8a: {  	s1 =	srdreg.scid  }
0x8b: {  	s0 =	sand.u32 $0x1, s1  }
0x8c: {  	s16 =	sshll.u32 s0, $0xA;
	s2 =	sadd.s32 s3, s2  }
0x8d: {  	s2 =	sadd.s32 s2, s16  }
0x8e: {  	[smem:$0x3FBC] =	sst s2  }
0x8f: {  	_ = 	snop  }
0x90: {  	(tm) =	ssettm $0x1  }
0x91: {  	s17 =	sld [smem:$0x3FFB];
	_ =	sdelay $0x3  }
0x92: {  	_ =	strace s17  }
0x93: {  	s2 =	sld [smem:$0x3FFC];
	_ =	sdelay $0x3  }
0x94: {  	_ =	strace s2  }
0x95: {  	s2 =	sld [smem:$0x3FFD];
	_ =	sdelay $0x3  }
0x96: {  	_ =	strace s2  }
0x97: {  	_ =	strace $0x8FFFFFFF  }
0x98: {  	s18 =	sld [smem:$0x3FDB];
	_ =	sdelay $0x1  }
0x99: {  	s19 =	simm.s32 $_scs_section_size  }
0x9a: {  	s4 =	simm.s32 $_size__tile_overlayer_lowered;
	s5 =	simm.s32 $_tile_overlayer_lowered  }
0x9b: {  	s22 =	simm.s32 $0x1BFF;
	s21 =	sshll.u32 s5, $0x1;
	s2 =	sadd.s32 s19, s18  }
0x9c: {  	s6 =	simm.s32 $0x0;
	s20 =	sshll.u32 s4, $0x1;
	s4 =	sadd.s32 s21, s2  }
0x9d: {  	[timem:s6], [sflag:s22] =	dma.local [hbm:s4], s20  }
0x9e: {  	_ =	swait.ge [sflag:s22], s20  }
0x9f: {  	s3 =	ssub.s32 $0x0, s20;
	[sflag:s22] =	ssyncset.done $0x0  }
0xa0: {  	[sflag:s22] =	ssyncadd.s32 s3;
	_ =	sdelay $0x1  }
0xa1: {  	s23 =	simm.s32 $0x1B8B  }
0xa2: {  	_ =	swait.ge [sflag:s23], $0x1  }
0xa3: {  	[sflag:s23] =	ssyncset.done $0x0  }
0xa4: {  	s25 =	simm.s32 $0x1B8E;
	s24 =	sld [smem:$0x3FFE];
	[sflag:s23] =	ssyncadd.s32 $0xFFFFFFFF  }
0xa5: {  	s26 =	simm.s32 $execute0_lowered;
	[smem:$0x3FD2] =	sst s25  }
0xa6: {  	s4 =	sshll.u32 s26, $0x1;
	_ =	strace $0x8000004F;
	[dreg:$0x1] =	wrdreg $0xFFFFFFFF  }
0xa7: {  	s28 =	simm.s32 $_size_execute0_lowered;
	s2 =	sadd.s32 s2, s4;
	[dreg:$0x0] =	wrdreg $0x0  }
0xa8: {  	s4 =	sshll.u32 s28, $0x1;
	[dreg:$0x2] =	wrdreg s2  }
0xa9: {  	[dreg:$0x3] =	wrdreg s4  }
0xaa: {  	[dreg:$0x4] =	wrdreg $0xC0  }
0xab: {  	_ =	task [dreg:s6], $0x5FFFF  }
0xac: {  	[dreg:$0x1] =	wrdreg $0xFFFFFFFF  }
0xad: {  	[dreg:$0x0] =	wrdreg $0x60  }
0xae: {  	[dreg:$0x2] =	wrdreg s24  }
0xaf: {  	[dreg:$0x3] =	wrdreg $0x9  }
0xb0: {  	_ =	task.clear_ibuf [dreg:s6], $0x4FFFF;
	_ =	strace $0x9000004F  }
0xb1: {  	s29 =	simm.s32 $0x9;
	_ =	strace $0x80000051  }
0xb2: {  	_ =	swait.ge [sflag:s29], $0x1  }
0xb3: {  	[sflag:s29] =	ssyncadd.s32 $0xFFFFFFFF  }
0xb4: {  	_ =	strace $0x90000051  }
0xb5: {  	_ =	sfence  }
0xb6: {  	s30 =	sld [smem:$0x0];
	_ =	sdelay $0x2  }
0xb7: {  	s31 =	sshll.u32 s1, $0xD;
	s1 =	sshrl.u32 s1, $0x2  }
0xb8: {  	s3 =	sand.u32 $0x4000, s31;
	s1 =	sadd.s32 s1, s30  }
0xb9: {  	s0 =	sor.u32 s3, s0;
	s1 =	sshll.u32 s1, $0x11  }
0xba: {  	s0 =	sor.u32 s1, s0  }
0xbb: {  	s0 =	sadd.s32 $0x8F2B, s0  }
0xbc: {  	[sflag:s0] =	ssyncadd.remote.s32 $0x1  }
0xbd: {  	_ =	sfence.sel $0xFFFF  }
0xbe: {  	[dreg:$0x0] =	wrdreg $0xFFFFFFFF;
	(pc) =	sbr.abs _section_cstart, $3  }
0xbf: {  	[dreg:$0x1] =	wrdreg $0xFFFFFFFF  }
0xc0: {  	_ =	task.clear_ibuf [dreg:s6], $0x2FFFF;
	_ =	strace $0x9FFFFFFF  }
0xc1: {  	(tm) =	ssettm $0x7FFFFFFF  }
tec
execute0_lowered:
.L_overlay_start_1:
0x0: {  	(tag) =	ssettag $0x1  }
0x1: {  	s5 =	rddreg [dreg:$0x0]  }
0x2: {  	s0 =	rddreg [dreg:$0x1]  }
0x3: {  	s1 =	simm.s32 $0x0;
	s6 =	srdreg.scid;
	s2 =	stileid.u32  }
0x4: {  	s16 =	simm.s32 $0x100;
	s17 =	simm.s32 $0x8200;
	s18 =	simm.s32 $0x180  }
0x5: {  	s19 =	simm.s32 $0xC200;
	s20 =	simm.s32 $0x1;
	s21 =	simm.s32 $0x3  }
0x6: {  	s22 =	simm.s32 $0x2;
	s23 =	simm.s32 $0x4;
	s24 =	simm.s32 $0x0  }
0x7: {  	[smem:$0x7FF] =	sst s1;
	s3 =	sadd.s32 $0x2A800, s5;
	s4 =	sadd.s32 $0x3600, s5  }
0x8: {  	s10 =	sand.u32 $0x1, s6;
	s29 =	sshll.u32 s2, $0x1;
	s11 =	sadd.s32 $0x71E00, s5  }
0x9: {  	s12 =	sadd.s32 $0x85E00, s5;
	s13 =	sshll.u32 s2, $0x6;
	s31 =	sshll.u32 s2, $0xD  }
0xa: {  	_ =	strace $0x80000050;
	s7 =	ssub.s32 $0x2, s10;
	s8 =	sor.u32 s10, s29  }
0xb: {  	s14 =	sand.u32 $0x380, s13;
	s15 =	sshll.u32 s10, $0x5;
	s10 =	sshll.u32 s10, $0xC  }
0xc: {  	s30 =	sshrl.u32 s7, $0x1;
	s6 =	sshll.u32 s8, $0x5;
	s8 =	sshll.u32 s8, $0xC  }
0xd: {  	s13 =	sor.u32 s15, s13;
	s15 =	simm.s32 $0x4200;
	s7 =	ssub.s32 s7, s30  }
0xe: {  	s5 =	sadd.s32 s11, s6;
	s9 =	sadd.s32 s8, s12;
	s11 =	sadd.s32 s14, s11  }
0xf: {  	s13 =	sand.u32 $0x60, s13;
	s12 =	sadd.s32 s31, s12;
	s14 =	simm.s32 $0x200  }
0x10: {  	s6 =	sadd.s32 $0x400, s5;
	s7 =	smax.u32 s7, $0x1;
	s8 =	sadd.s32 $0x9C0000, s9  }
0x11: {  	s9 =	sadd.s32 $0x9E0000, s9;
	s11 =	sadd.s32 s13, s11;
	s10 =	sadd.s32 s10, s12  }
0x12: {  	s12 =	simm.s32 $0x5;
	s13 =	simm.s32 $0x80;
	s11 =	sadd.s32 $0xC00, s11  }
.LBB2_1:
0x13: {  	[tilespmem:s1], [sflag:$0x5] =	stream.linear.gather [hbm4b:s5+s1], $0x100, $0x38;
	[tilespmem:$0x10200] =	vst v63  }
0x14: {  	_ =	swait.ge [sflag:s12], $0x100  }
0x15: {  	[sflag:s12] =	ssyncset.done $0x0  }
0x16: {  	[sflag:s12] =	ssyncadd.s32 $0xFFFFFF00  }
0x17: {  	[tilespmem:s14], [sflag:$0x1] =	stream.indirect.gather [hbm4b:s3+s13], $0x80, s1, s13, $0xb8;
	[tilespmem:$0x10200] =	vst v63  }
0x18: {  	_ = 	snop  }
0x19: {  	[tilespmem:s15], [sflag:$0x1] =	stream.indirect.gather [hbm4b:s4+s13], $0x80, s13, s13, $0xb8;
	[tilespmem:$0x10200] =	vst v63  }
0x1a: {  	_ = 	snop  }
0x1b: {  	[tilespmem:s16], [sflag:$0x5] =	stream.linear.gather [hbm4b:s6+s1], $0x100, $0x38;
	[tilespmem:$0x10200] =	vst v63  }
0x1c: {  	_ =	swait.ge [sflag:s12], $0x100  }
0x1d: {  	[sflag:s12] =	ssyncset.done $0x0  }
0x1e: {  	[sflag:s12] =	ssyncadd.s32 $0xFFFFFF00  }
0x1f: {  	[tilespmem:s17], [sflag:$0x2] =	stream.indirect.gather [hbm4b:s3+s13], $0x80, s16, s13, $0xb8;
	[tilespmem:$0x10200] =	vst v63  }
0x20: {  	_ = 	snop  }
0x21: {  	[tilespmem:s19], [sflag:$0x2] =	stream.indirect.gather [hbm4b:s4+s13], $0x80, s18, s13, $0xb8;
	[tilespmem:$0x10200] =	vst v63  }
0x22: {  	_ =	swait.ge [sflag:s20], $0x4000  }
0x23: {  	[sflag:s20] =	ssyncset.done $0x0  }
0x24: {  	[sflag:s20] =	ssyncadd.s32 $0xFFFFC000  }
0x25: {  	_ =	swait.ge [sflag:s20], $0x4000  }
0x26: {  	[sflag:s20] =	ssyncset.done $0x0  }
0x27: {  	s25 =	sadd.s32 $0x0, s10;
	[sflag:s20] =	ssyncadd.s32 $0xFFFFC000  }
0x28: {  	[hbm4b:s25+s1] =	stream.linear.scatter [tilespmem:s14], [sflag:$0x3], $0x8000, $0x38;
	[tilespmem:$0x10200] =	vst v63  }
0x29: {  	_ =	swait.ge [sflag:s21], $0x8000  }
0x2a: {  	[sflag:s21] =	ssyncset.done $0x0  }
0x2b: {  	s26 =	sadd.s32 $0xFFFFFC00, s11;
	[sflag:s21] =	ssyncadd.s32 $0xFFFF8000  }
0x2c: {  	[tilespmem:s1], [sflag:$0x5] =	stream.linear.gather [hbm4b:s26+s1], $0x100, $0x38;
	[tilespmem:$0x10200] =	vst v63  }
0x2d: {  	_ =	swait.ge [sflag:s12], $0x100  }
0x2e: {  	[sflag:s12] =	ssyncset.done $0x0  }
0x2f: {  	[sflag:s12] =	ssyncadd.s32 $0xFFFFFF00  }
0x30: {  	[tilespmem:s14], [sflag:$0x1] =	stream.indirect.gather [hbm4b:s3+s13], $0x80, s1, s13, $0xb8;
	[tilespmem:$0x10200] =	vst v63  }
0x31: {  	_ = 	snop  }
0x32: {  	[tilespmem:s15], [sflag:$0x1] =	stream.indirect.gather [hbm4b:s4+s13], $0x80, s13, s13, $0xb8;
	[tilespmem:$0x10200] =	vst v63  }
0x33: {  	_ =	swait.ge [sflag:s22], $0x4000  }
0x34: {  	[sflag:s22] =	ssyncset.done $0x0  }
0x35: {  	[sflag:s22] =	ssyncadd.s32 $0xFFFFC000  }
0x36: {  	_ =	swait.ge [sflag:s22], $0x4000  }
0x37: {  	[sflag:s22] =	ssyncset.done $0x0  }
0x38: {  	s25 =	sadd.s32 $0x20000, s25;
	[sflag:s22] =	ssyncadd.s32 $0xFFFFC000  }
0x39: {  	[hbm4b:s25+s1] =	stream.linear.scatter [tilespmem:s17], [sflag:$0x4], $0x8000, $0x38;
	[tilespmem:$0x10200] =	vst v63  }
0x3a: {  	_ =	swait.ge [sflag:s23], $0x8000  }
0x3b: {  	[sflag:s23] =	ssyncset.done $0x0  }
0x3c: {  	[sflag:s23] =	ssyncadd.s32 $0xFFFF8000  }
0x3d: {  	[tilespmem:s16], [sflag:$0x5] =	stream.linear.gather [hbm4b:s11+s1], $0x100, $0x38;
	[tilespmem:$0x10200] =	vst v63  }
0x3e: {  	_ =	swait.ge [sflag:s12], $0x100  }
0x3f: {  	[sflag:s12] =	ssyncset.done $0x0  }
0x40: {  	s26 =	sadd.s32 $0x800, s11;
	s25 =	simm.s32 $0x40000;
	[sflag:s12] =	ssyncadd.s32 $0xFFFFFF00  }
0x41: {  	[tilespmem:s17], [sflag:$0x2] =	stream.indirect.gather [hbm4b:s3+s13], $0x80, s16, s13, $0xb8;
	[tilespmem:$0x10200] =	vst v63  }
.LBB2_2:
0x42: {  	[tilespmem:s19], [sflag:$0x2] =	stream.indirect.gather [hbm4b:s4+s13], $0x80, s18, s13, $0xb8;
	[tilespmem:$0x10200] =	vst v63  }
0x43: {  	s28 =	smov.u32 s25  }
0x44: {  	p0 =	sne.s32 s25, $0x980000;
	s25 =	sadd.s32 $0x40000, s25;
	_ =	swait.ge [sflag:s20], $0x4000  }
0x45: {  	[sflag:s20] =	ssyncset.done $0x0  }
0x46: {  	[sflag:s20] =	ssyncadd.s32 $0xFFFFC000  }
0x47: {  	_ =	swait.ge [sflag:s20], $0x4000  }
0x48: {  	[sflag:s20] =	ssyncset.done $0x0  }
0x49: {  	s28 =	sadd.s32 s28, s10;
	[sflag:s20] =	ssyncadd.s32 $0xFFFFC000  }
0x4a: {  	[hbm4b:s28+s1] =	stream.linear.scatter [tilespmem:s14], [sflag:$0x3], $0x8000, $0x38;
	[tilespmem:$0x10200] =	vst v63  }
0x4b: {  	_ =	swait.ge [sflag:s21], $0x8000  }
0x4c: {  	[sflag:s21] =	ssyncset.done $0x0  }
0x4d: {  	s29 =	sadd.s32 $0xFFFFFC00, s26;
	[sflag:s21] =	ssyncadd.s32 $0xFFFF8000  }
0x4e: {  	[tilespmem:s1], [sflag:$0x5] =	stream.linear.gather [hbm4b:s29+s1], $0x100, $0x38;
	[tilespmem:$0x10200] =	vst v63  }
0x4f: {  	_ =	swait.ge [sflag:s12], $0x100  }
0x50: {  	[sflag:s12] =	ssyncset.done $0x0  }
0x51: {  	[sflag:s12] =	ssyncadd.s32 $0xFFFFFF00  }
0x52: {  	[tilespmem:s14], [sflag:$0x1] =	stream.indirect.gather [hbm4b:s3+s13], $0x80, s1, s13, $0xb8;
	[tilespmem:$0x10200] =	vst v63  }
0x53: {  	_ = 	snop  }
0x54: {  	[tilespmem:s15], [sflag:$0x1] =	stream.indirect.gather [hbm4b:s4+s13], $0x80, s13, s13, $0xb8;
	[tilespmem:$0x10200] =	vst v63  }
0x55: {  	_ =	swait.ge [sflag:s22], $0x4000  }
0x56: {  	[sflag:s22] =	ssyncset.done $0x0  }
0x57: {  	[sflag:s22] =	ssyncadd.s32 $0xFFFFC000  }
0x58: {  	_ =	swait.ge [sflag:s22], $0x4000  }
0x59: {  	[sflag:s22] =	ssyncset.done $0x0  }
0x5a: {  	s28 =	sadd.s32 $0x20000, s28;
	[sflag:s22] =	ssyncadd.s32 $0xFFFFC000  }
0x5b: {  	[hbm4b:s28+s1] =	stream.linear.scatter [tilespmem:s17], [sflag:$0x4], $0x8000, $0x38;
	[tilespmem:$0x10200] =	vst v63  }
0x5c: {  	_ =	swait.ge [sflag:s23], $0x8000  }
0x5d: {  	[sflag:s23] =	ssyncset.done $0x0  }
0x5e: {  	[sflag:s23] =	ssyncadd.s32 $0xFFFF8000  }
0x5f: {  	[tilespmem:s16], [sflag:$0x5] =	stream.linear.gather [hbm4b:s26+s1], $0x100, $0x38;
	[tilespmem:$0x10200] =	vst v63  }
.Ltmp0:
0x60: {  	_ =	swait.ge [sflag:s12], $0x100;
	(pc) =	sbr.rel @p0 .LBB2_2-.Ltmp0, $4  }
0x61: {  	[sflag:s12] =	ssyncset.done $0x0  }
0x62: {  	[sflag:s12] =	ssyncadd.s32 $0xFFFFFF00  }
0x63: {  	[tilespmem:s17], [sflag:$0x2] =	stream.indirect.gather [hbm4b:s3+s13], $0x80, s16, s13, $0xb8;
	[tilespmem:$0x10200] =	vst v63  }
0x64: {  	s26 =	sadd.s32 $0x800, s26  }
0x65: {  	[tilespmem:s19], [sflag:$0x2] =	stream.indirect.gather [hbm4b:s4+s13], $0x80, s18, s13, $0xb8;
	[tilespmem:$0x10200] =	vst v63  }
0x66: {  	_ =	swait.ge [sflag:s20], $0x4000  }
0x67: {  	[sflag:s20] =	ssyncset.done $0x0  }
0x68: {  	[sflag:s20] =	ssyncadd.s32 $0xFFFFC000  }
0x69: {  	_ =	swait.ge [sflag:s20], $0x4000  }
0x6a: {  	[sflag:s20] =	ssyncset.done $0x0  }
0x6b: {  	[sflag:s20] =	ssyncadd.s32 $0xFFFFC000  }
0x6c: {  	[hbm4b:s8+s1] =	stream.linear.scatter [tilespmem:s14], [sflag:$0x3], $0x8000, $0x38;
	[tilespmem:$0x10200] =	vst v63  }
0x6d: {  	_ =	swait.ge [sflag:s22], $0x4000  }
0x6e: {  	[sflag:s22] =	ssyncset.done $0x0  }
0x6f: {  	[sflag:s22] =	ssyncadd.s32 $0xFFFFC000  }
0x70: {  	_ =	swait.ge [sflag:s22], $0x4000  }
0x71: {  	[sflag:s22] =	ssyncset.done $0x0  }
0x72: {  	s24 =	sadd.s32 $0x1, s24;
	[sflag:s22] =	ssyncadd.s32 $0xFFFFC000  }
0x73: {  	[hbm4b:s9+s1] =	stream.linear.scatter [tilespmem:s17], [sflag:$0x4], $0x8000, $0x38;
	[tilespmem:$0x10200] =	vst v63  }
0x74: {  	p0 =	sne.s32 s24, s7;
	_ =	swait.ge [sflag:s21], $0x8000  }
.Ltmp1:
0x75: {  	[sflag:s21] =	ssyncset.done $0x0;
	(pc) =	sbr.rel @p0 .LBB2_1-.Ltmp1, $4  }
0x76: {  	[sflag:s21] =	ssyncadd.s32 $0xFFFF8000  }
0x77: {  	_ =	swait.ge [sflag:s23], $0x8000  }
0x78: {  	[sflag:s23] =	ssyncset.done $0x0  }
0x79: {  	[sflag:s23] =	ssyncadd.s32 $0xFFFF8000  }
0x7a: {  	_ =	sfence.sel $0x180000  }
0x7b: {  	[bflag:$0x0] =	sbarrier.arrive $0xFFFF  }
0x7c: {  	p0 =	sne.s32 s2, $0x0;
	_ =	strace $0x90000050  }
0x7d: {  	s0 =	sadd.s32 @!p0 $0x100000, s0;
	[bflag:$0x2] =	sbarrier.arrive $0xFFFF  }
0x7e: {  	[sflag:s0] =	ssyncadd.tile.s32 @!p0 $0x1;
	_ =	shalt  }
.Lfunc_end2:
_tile_overlayer_lowered:
.L_overlay_start_2:
0x7f: {  	(tag) =	ssettag $0x2  }
0x80: {  	s0 =	rddreg [dreg:$0x0];
	s2 =	stileid.u32  }
0x81: {  	s1 =	rddreg [dreg:$0x1];
	p0 =	sne.s32 s2, $0x0  }
0x82: {  	s3 =	rddreg [dreg:$0x2];
	[bflag:$0x3] =	sbarrier.arrive $0xFFFF;
	s2 =	simm.s32 @!p0 $0x1C05  }
0x83: {  	[timem:s3], [sflag:s2] =	dma.local @!p0 [hbm:s0], s1  }
0x84: {  	s0 =	simm.s32 @!p0 $0x5  }
0x85: {  	_ =	swait.ge @!p0 [sflag:s0], s1  }
0x86: {  	s1 =	ssub.s32 @!p0 $0x0, s1;
	[sflag:s0] =	ssyncset.done @!p0 $0x0  }
0x87: {  	[sflag:s0] =	ssyncadd.s32 @!p0 s1  }
0x88: {  	[bflag:$0x3] =	sbarrier.arrive $0xFFFF  }
0x89: {  	_ =	shalt  }

// kernel: kernel.9.cloned.1.call-start
scs
__scs_entry_jumppad:
0x0: {  	(pc) =	sbr.rel $0x88, $3  }
0x1: {  	(tag) =	ssettag $0x0;
	lr =	simm.s32 $0x1  }
0x2: {  	[smem:$0x3F95] =	sst lr;
	_ =	strace $0xD0000000  }
0x3: {  	_ = 	snop  }
0x4: {  	_ = 	snop  }
0x5: {  	_ = 	snop  }
0x6: {  	_ = 	snop  }
0x7: {  	_ = 	snop  }
__scs_overlays_trampoline_lowered:
0x8: {  	[smem:$0x3FA4] =	sst s0  }
0x9: {  	[smem:$0x3FA5] =	sst s1  }
0xa: {  	[smem:$0x3FA6] =	sst s2  }
0xb: {  	[smem:$0x3FA7] =	sst s3  }
0xc: {  	[smem:$0x3FA8] =	sst s4  }
0xd: {  	[smem:$0x3FA9] =	sst s5  }
0xe: {  	[smem:$0x3FAA] =	sst s6  }
0xf: {  	[smem:$0x3FAB] =	sst s7  }
0x10: {  	[smem:$0x3FAC] =	sst s8  }
0x11: {  	[smem:$0x3FAD] =	sst s9;
	s0 =	simm.s32 @!p0 $0x0  }
0x12: {  	s1 =	sld [smem:$0x3F93];
	s0 =	simm.s32 @p0 $0x1  }
0x13: {  	[smem:$0x3FAE] =	sst s0;
	s0 =	simm.s32 @!p1 $0x0  }
0x14: {  	s2 =	sld [smem:$0x3F92];
	s0 =	simm.s32 @p1 $0x1  }
0x15: {  	[smem:$0x3FAF] =	sst s0;
	s0 =	simm.s32 @!p2 $0x0  }
0x16: {  	s3 =	sld [smem:$0x3FDB];
	s0 =	simm.s32 @p2 $0x1  }
0x17: {  	s4 =	simm.s32 $0x1BF5;
	[smem:$0x3FB1] =	sst s0  }
0x18: {  	s0 =	sld [smem:$0x3F94];
	_ =	swait.ge [sflag:s4], $0x0  }
0x19: {  	s7 =	sld [smem:$0x3F95]  }
0x1a: {  	s8 =	sadd.s32 $0xFFFFE003, lr  }
0x1b: {  	s9 =	sadd.s32 $0xFFFFFEF7, lr;
	s5 =	simm.s32 $0xFFFFFFFF;
	p2 =	slt.u32 s8, $0xFFFFF086  }
0x1c: {  	p1 =	slt.u32 s9, $0xF7A;
	s5 =	simm.s32 @!p2 $0x0  }
0x1d: {  	s5 =	simm.s32 @p1 $0x1;
	p0 =	seq.s32 s7, s2  }
0x1e: {  	s7 =	smul.u32 @!p0 $0xF7A, s2;
	p2 =	seq.s32 @!p0 s5, $0x0  }
0x1f: {  	s9 =	smul.u32 $0xF7A, s1;
	s8 =	simm.s32 @!p0 $0x1BF5;
	p2 =	por !p2, p0  }
0x20: {  	[sflag:s8] =	ssyncset.s32 @!p0 $0xFFFFF086;
	s6 =	sadd.s32 @!p0 s3, s7;
	s7 =	simm.s32 @!p0 $0x108  }
0x21: {  	s3 =	sadd.s32 s3, s9;
	s6 =	sadd.s32 @!p0 $0x88, s6;
	s7 =	simm.s32 @p2 $0x1082  }
0x22: {  	[simem:s7], [sflag:s8] =	dma.local @!p0 [hbm:s6], $0xF7A  }
0x23: {  	s9 =	sor.u32 $0xD0000000, s2;
	s6 =	simm.s32 $0x108;
	_ =	swait.ge @!p0 [sflag:s8], $0x0  }
0x24: {  	s3 =	sadd.s32 $0x88, s3;
	s6 =	simm.s32 @!p1 $0x1082;
	[sflag:s4] =	ssyncset.s32 $0xFFFFF086  }
0x25: {  	[simem:s6], [sflag:s4] =	dma.local [hbm:s3], $0xF7A  }
0x26: {  	[smem:$0x3F95] =	sst s1;
	(tag) =	ssettag s2;
	_ =	strace s9  }
0x27: {  	s1 =	sld [smem:$0x3FA5]  }
0x28: {  	s2 =	sld [smem:$0x3FA6]  }
0x29: {  	s4 =	sld [smem:$0x3FA8]  }
0x2a: {  	p0 =	seq.s32 s5, $0x0;
	s5 =	sld [smem:$0x3FA9]  }
0x2b: {  	s6 =	sld [smem:$0x3FAA]  }
0x2c: {  	s7 =	sld [smem:$0x3FAB]  }
0x2d: {  	s3 =	simm.s32 $0x108;
	s8 =	sld [smem:$0x3FAC]  }
0x2e: {  	s3 =	simm.s32 @!p0 $0x1082;
	s9 =	sld [smem:$0x3FAD]  }
0x2f: {  	lr =	sadd.s32 s0, s3;
	s0 =	sld [smem:$0x3FA4]  }
0x30: {  	s3 =	sld [smem:$0x3FA7]  }
0x31: {  	[smem:$0x3FB0] =	sst s10  }
0x32: {  	s10 =	sld [smem:$0x3FAE];
	_ =	sdelay $0x3  }
0x33: {  	p0 =	seq.s32 s10, $0x1;
	s10 =	sld [smem:$0x3FB0];
	_ =	sdelay $0x3  }
0x34: {  	[smem:$0x3FB0] =	sst s10  }
0x35: {  	s10 =	sld [smem:$0x3FAF];
	_ =	sdelay $0x3  }
0x36: {  	p1 =	seq.s32 s10, $0x1;
	s10 =	sld [smem:$0x3FB0];
	_ =	sdelay $0x3  }
0x37: {  	[smem:$0x3FB0] =	sst s10  }
0x38: {  	s10 =	sld [smem:$0x3FB1]  }
0x39: {  	_ = 	snop;
	(pc) =	sbr.ind lr, $3  }
0x3a: {  	_ = 	snop  }
0x3b: {  	_ = 	snop  }
0x3c: {  	p2 =	seq.s32 s10, $0x1;
	s10 =	sld [smem:$0x3FB0]  }
0x3d: {  	_ =	shalt  }
0x3e: {  	_ =	shalt  }
0x3f: {  	_ =	shalt  }
0x40: {  	_ =	shalt  }
0x41: {  	_ =	shalt  }
0x42: {  	_ =	shalt  }
0x43: {  	_ =	shalt  }
0x44: {  	_ =	shalt  }
0x45: {  	_ =	shalt  }
0x46: {  	_ =	shalt  }
0x47: {  	_ =	shalt  }
0x48: {  	_ =	shalt  }
0x49: {  	_ =	shalt  }
0x4a: {  	_ =	shalt  }
0x4b: {  	_ =	shalt  }
0x4c: {  	_ =	shalt  }
0x4d: {  	_ =	shalt  }
0x4e: {  	_ =	shalt  }
0x4f: {  	_ =	shalt  }
0x50: {  	_ =	shalt  }
0x51: {  	_ =	shalt  }
0x52: {  	_ =	shalt  }
0x53: {  	_ =	shalt  }
0x54: {  	_ =	shalt  }
0x55: {  	_ =	shalt  }
0x56: {  	_ =	shalt  }
0x57: {  	_ =	shalt  }
0x58: {  	_ =	shalt  }
0x59: {  	_ =	shalt  }
0x5a: {  	_ =	shalt  }
0x5b: {  	_ =	shalt  }
0x5c: {  	_ =	shalt  }
0x5d: {  	_ =	shalt  }
0x5e: {  	_ =	shalt  }
0x5f: {  	_ =	shalt  }
0x60: {  	_ =	shalt  }
0x61: {  	_ =	shalt  }
0x62: {  	_ =	shalt  }
0x63: {  	_ =	shalt  }
0x64: {  	_ =	shalt  }
0x65: {  	_ =	shalt  }
0x66: {  	_ =	shalt  }
0x67: {  	_ =	shalt  }
0x68: {  	_ =	shalt  }
0x69: {  	_ =	shalt  }
0x6a: {  	_ =	shalt  }
0x6b: {  	_ =	shalt  }
0x6c: {  	_ =	shalt  }
0x6d: {  	_ =	shalt  }
0x6e: {  	_ =	shalt  }
0x6f: {  	_ =	shalt  }
0x70: {  	_ =	shalt  }
0x71: {  	_ =	shalt  }
0x72: {  	_ =	shalt  }
0x73: {  	_ =	shalt  }
0x74: {  	_ =	shalt  }
0x75: {  	_ =	shalt  }
0x76: {  	_ =	shalt  }
0x77: {  	_ =	shalt  }
0x78: {  	_ =	shalt  }
0x79: {  	_ =	shalt  }
0x7a: {  	_ =	shalt  }
0x7b: {  	_ =	shalt  }
0x7c: {  	_ =	shalt  }
0x7d: {  	_ =	shalt  }
0x7e: {  	_ =	shalt  }
0x7f: {  	_ =	shalt  }
0x80: {  	_ =	shalt  }
0x81: {  	_ =	shalt  }
0x82: {  	_ =	shalt  }
0x83: {  	_ =	shalt  }
0x84: {  	_ =	shalt  }
0x85: {  	_ =	shalt  }
0x86: {  	_ =	shalt  }
0x87: {  	_ =	shalt  }
.Lfunc_end0:
.L_simem_size_0:
called_computation_lowered:
.L_overlay_start_0:
0x88: {  	s2 =	sld [smem:$0x3FD9]  }
0x89: {  	s3 =	sld [smem:$0x3FFE];
	_ =	sdelay $0x1  }
0x8a: {  	s1 =	srdreg.scid  }
0x8b: {  	s0 =	sand.u32 $0x1, s1  }
0x8c: {  	s17 =	sshll.u32 s0, $0xA;
	s2 =	sadd.s32 s3, s2  }
0x8d: {  	s2 =	sadd.s32 s2, s17  }
0x8e: {  	[smem:$0x3FBC] =	sst s2  }
0x8f: {  	_ = 	snop  }
0x90: {  	s2 =	sld [smem:$0x3FD0];
	(tm) =	ssettm $0x1  }
0x91: {  	s18 =	sld [smem:$0x3FFB];
	_ =	sdelay $0x3  }
0x92: {  	_ =	strace s18  }
0x93: {  	s3 =	sld [smem:$0x3FFC];
	_ =	sdelay $0x3  }
0x94: {  	_ =	strace s3  }
0x95: {  	s3 =	sld [smem:$0x3FFD];
	_ =	sdelay $0x3  }
0x96: {  	_ =	strace s3  }
0x97: {  	_ =	strace $0x8FFFFFFF  }
0x98: {  	s19 =	sld [smem:$0x3FDB];
	_ =	sdelay $0x1  }
0x99: {  	s4 =	simm.s32 $_scs_section_size  }
0x9a: {  	s5 =	simm.s32 $_size__tile_overlayer_lowered;
	s6 =	simm.s32 $_tile_overlayer_lowered  }
0x9b: {  	s22 =	simm.s32 $0x1BFF;
	s21 =	sshll.u32 s6, $0x1;
	s3 =	sadd.s32 s4, s19  }
0x9c: {  	s7 =	simm.s32 $0x0;
	s20 =	sshll.u32 s5, $0x1;
	s5 =	sadd.s32 s21, s3  }
0x9d: {  	[timem:s7], [sflag:s22] =	dma.local [hbm:s5], s20  }
0x9e: {  	_ =	swait.ge [sflag:s22], s20  }
0x9f: {  	s4 =	ssub.s32 $0x0, s20;
	[sflag:s22] =	ssyncset.done $0x0  }
0xa0: {  	[sflag:s22] =	ssyncadd.s32 s4;
	_ =	sdelay $0x1  }
0xa1: {  	s23 =	simm.s32 $0x1B8B  }
0xa2: {  	_ =	swait.ge [sflag:s23], $0x1  }
0xa3: {  	[sflag:s23] =	ssyncset.done $0x0  }
0xa4: {  	s25 =	simm.s32 $0x1B8E;
	s24 =	sld [smem:$0x3FFE];
	[sflag:s23] =	ssyncadd.s32 $0xFFFFFFFF  }
0xa5: {  	s26 =	simm.s32 $execute0_lowered;
	[smem:$0x3FD2] =	sst s25  }
0xa6: {  	s5 =	sshll.u32 s26, $0x1;
	_ =	strace $0x80000046;
	[dreg:$0x1] =	wrdreg $0xFFFFFFFF  }
0xa7: {  	s28 =	simm.s32 $_size_execute0_lowered;
	s3 =	sadd.s32 s3, s5;
	[dreg:$0x0] =	wrdreg $0x0  }
0xa8: {  	s5 =	sshll.u32 s28, $0x1;
	[dreg:$0x2] =	wrdreg s3  }
0xa9: {  	[dreg:$0x3] =	wrdreg s5  }
0xaa: {  	[dreg:$0x4] =	wrdreg $0xC0  }
0xab: {  	_ =	task [dreg:s7], $0x5FFFF  }
0xac: {  	[dreg:$0x1] =	wrdreg $0xFFFFFFFF  }
0xad: {  	[dreg:$0x0] =	wrdreg $0x60  }
0xae: {  	[dreg:$0x2] =	wrdreg s24  }
0xaf: {  	[dreg:$0x3] =	wrdreg s2  }
0xb0: {  	[dreg:$0x4] =	wrdreg $0x40800  }
0xb1: {  	[dreg:$0x5] =	wrdreg $0x9  }
0xb2: {  	_ =	task.clear_ibuf [dreg:s7], $0x6FFFF;
	_ =	strace $0x90000046  }
0xb3: {  	s29 =	simm.s32 $0x9;
	_ =	strace $0x80000048  }
0xb4: {  	_ =	swait.ge [sflag:s29], $0x1  }
0xb5: {  	[sflag:s29] =	ssyncadd.s32 $0xFFFFFFFF  }
0xb6: {  	_ =	strace $0x90000048  }
0xb7: {  	_ =	sfence  }
0xb8: {  	s30 =	sld [smem:$0x0];
	_ =	sdelay $0x2  }
0xb9: {  	s31 =	sshll.u32 s1, $0xD;
	s1 =	sshrl.u32 s1, $0x2  }
0xba: {  	s3 =	sand.u32 $0x4000, s31;
	s1 =	sadd.s32 s1, s30  }
0xbb: {  	s0 =	sor.u32 s3, s0;
	s1 =	sshll.u32 s1, $0x11  }
0xbc: {  	s0 =	sor.u32 s1, s0  }
0xbd: {  	s0 =	sadd.s32 $0x8F2B, s0  }
0xbe: {  	[sflag:s0] =	ssyncadd.remote.s32 $0x1  }
0xbf: {  	_ =	sfence.sel $0xFFFF  }
0xc0: {  	[dreg:$0x0] =	wrdreg $0xFFFFFFFF;
	(pc) =	sbr.abs _section_cstart, $3  }
0xc1: {  	[dreg:$0x1] =	wrdreg $0xFFFFFFFF  }
0xc2: {  	_ =	task.clear_ibuf [dreg:s7], $0x2FFFF;
	_ =	strace $0x9FFFFFFF  }
0xc3: {  	(tm) =	ssettm $0x7FFFFFFF  }
tec
execute0_lowered:
.L_overlay_start_1:
0x0: {  	(tag) =	ssettag $0x1  }
0x1: {  	s6 =	rddreg [dreg:$0x0]  }
0x2: {  	s2 =	rddreg [dreg:$0x1]  }
0x3: {  	s3 =	rddreg [dreg:$0x2]  }
0x4: {  	s0 =	rddreg [dreg:$0x3]  }
0x5: {  	s4 =	simm.s32 $0x0;
	s1 =	stileid.u32;
	s5 =	srdreg.scid  }
0x6: {  	[smem:$0x7FF] =	sst s4;
	s7 =	sshll.u32 s1, $0x5;
	s8 =	sand.u32 $0x1, s5  }
0x7: {  	s12 =	smul.u32 $0x50000, s1;
	s5 =	sadd.s32 $0xD600, s6;
	s29 =	sshll.u32 s1, $0x6  }
0x8: {  	s14 =	smul.u32 $0x2800, s1;
	_ =	strace $0x80000047;
	s25 =	sand.u32 $0x180, s7  }
0x9: {  	s9 =	smul.u32 $0x28000, s8;
	s11 =	ssub.s32 $0x2, s8;
	s7 =	sand.u32 $0x60, s7  }
0xa: {  	s8 =	sshll.u32 s8, $0x4;
	s10 =	sadd.s32 s25, s6;
	s26 =	sshrl.u32 s11, $0x1  }
0xb: {  	s28 =	sshrl.u32 s12, $0x2;
	s9 =	sadd.s32 s9, s6;
	s11 =	ssub.s32 s11, s26  }
0xc: {  	s13 =	sadd.s32 s28, s3;
	s6 =	sor.u32 $0x1C01, s29;
	s31 =	sadd.s32 s7, s10  }
0xd: {  	s10 =	simm.s32 $0x1;
	s30 =	sadd.s32 $0xDE00, s9;
	s7 =	smax.u32 s11, $0x1  }
0xe: {  	s8 =	sadd.s32 s8, s31;
	s9 =	sshrl.u32 s13, $0x3;
	s11 =	simm.s32 $0x80  }
0xf: {  	s13 =	simm.s32 $0x0;
	s8 =	sadd.s32 $0x3600, s8;
	s12 =	sadd.s32 s14, s30  }
.LBB2_1:
0x10: {  	[spmem:s9], [sflag:s6] =	dma.local [hbm:s2], $0x2800  }
0x11: {  	_ =	swait.ge [sflag:s10], $0x2800  }
0x12: {  	[sflag:s10] =	ssyncset.done $0x0  }
0x13: {  	[sflag:s10] =	ssyncadd.s32 $0xFFFFD800  }
0x14: {  	[tilespmem:s11], [sflag:$0x1] =	stream.linear.gather [hbm4b:s5+s4], $0x4000, $0x38;
	[tilespmem:$0x18080] =	vst v63  }
0x15: {  	_ =	swait.ge [sflag:s10], $0x4000  }
0x16: {  	[sflag:s10] =	ssyncset.done $0x0  }
0x17: {  	[sflag:s10] =	ssyncadd.s32 $0xFFFFC000  }
0x18: {  	s14 =	sadd.s32 $0x0, s8;
	[bflag:$0x0] =	sbarrier.arrive $0xFFFF  }
0x19: {  	[tilespmem:s4], [sflag:$0x1] =	stream.linear.gather [hbm4b:s14+s4], $0x80, $0x38;
	[tilespmem:$0x18080] =	vst v63  }
0x1a: {  	_ =	swait.ge [sflag:s10], $0x80  }
0x1b: {  	[sflag:s10] =	ssyncset.done $0x0  }
0x1c: {  	[sflag:s10] =	ssyncadd.s32 $0xFFFFFF80  }
0x1d: {  	[spmem:s3] =	stream.indirect.scatter.add.f32 [tilespmem:s11], [sflag:$0x1], $0x80, s4, s11, $0xb8;
	[tilespmem:$0x18080] =	vst v63  }
0x1e: {  	_ =	swait.ge [sflag:s10], $0x4000  }
0x1f: {  	s15 =	simm.s32 $0x400;
	s14 =	simm.s32 $0x200;
	[sflag:s10] =	ssyncset.done $0x0  }
.LBB2_2:
0x20: {  	s16 =	sadd.s32 s14, s8  }
0x21: {  	[sflag:s10] =	ssyncadd.s32 $0xFFFFC000;
	s14 =	smov.u32 s15;
	s17 =	sadd.s32 $0x200, s15  }
0x22: {  	[tilespmem:s4], [sflag:$0x1] =	stream.linear.gather [hbm4b:s16+s4], $0x80, $0x38;
	[tilespmem:$0x18080] =	vst v63  }
0x23: {  	p0 =	sne.s32 s15, $0x9E00;
	_ =	swait.ge [sflag:s10], $0x80  }
.Ltmp0:
0x24: {  	[sflag:s10] =	ssyncset.done $0x0;
	(pc) =	sbr.rel @p0 .LBB2_2-.Ltmp0, $4  }
0x25: {  	[sflag:s10] =	ssyncadd.s32 $0xFFFFFF80  }
0x26: {  	[spmem:s3] =	stream.indirect.scatter.add.f32 [tilespmem:s11], [sflag:$0x1], $0x80, s4, s11, $0xb8;
	[tilespmem:$0x18080] =	vst v63  }
0x27: {  	_ =	swait.ge [sflag:s10], $0x4000  }
0x28: {  	s15 =	smov.u32 s17;
	[sflag:s10] =	ssyncset.done $0x0  }
0x29: {  	s14 =	sadd.s32 s14, s8;
	[sflag:s10] =	ssyncadd.s32 $0xFFFFC000  }
0x2a: {  	[tilespmem:s4], [sflag:$0x1] =	stream.linear.gather [hbm4b:s14+s4], $0x80, $0x38;
	[tilespmem:$0x18080] =	vst v63  }
0x2b: {  	_ =	swait.ge [sflag:s10], $0x80  }
0x2c: {  	[sflag:s10] =	ssyncset.done $0x0  }
0x2d: {  	[sflag:s10] =	ssyncadd.s32 $0xFFFFFF80  }
0x2e: {  	[spmem:s3] =	stream.indirect.scatter.add.f32 [tilespmem:s11], [sflag:$0x1], $0x80, s4, s11, $0xb8;
	[tilespmem:$0x18080] =	vst v63  }
0x2f: {  	_ =	swait.ge [sflag:s10], $0x4000  }
0x30: {  	s13 =	sadd.s32 $0x1, s13;
	[sflag:s10] =	ssyncset.done $0x0  }
0x31: {  	p0 =	sne.s32 s13, s7;
	[sflag:s10] =	ssyncadd.s32 $0xFFFFC000  }
.Ltmp1:
0x32: {  	[bflag:$0x0] =	sbarrier.arrive $0xFFFF;
	(pc) =	sbr.rel @p0 .LBB2_1-.Ltmp1, $4  }
0x33: {  	[hbm:s12], [sflag:s6] =	dma.local [spmem:s9], $0x2800  }
0x34: {  	_ =	swait.ge [sflag:s10], $0x2800  }
0x35: {  	[sflag:s10] =	ssyncset.done $0x0  }
0x36: {  	[sflag:s10] =	ssyncadd.s32 $0xFFFFD800  }
0x37: {  	_ =	sfence.sel $0x180000  }
0x38: {  	[bflag:$0x0] =	sbarrier.arrive $0xFFFF  }
0x39: {  	p0 =	sne.s32 s1, $0x0;
	_ =	strace $0x90000047  }
0x3a: {  	s0 =	sadd.s32 @!p0 $0x100000, s0;
	[bflag:$0x2] =	sbarrier.arrive $0xFFFF  }
0x3b: {  	[sflag:s0] =	ssyncadd.tile.s32 @!p0 $0x1;
	_ =	shalt  }
.Lfunc_end2:
_tile_overlayer_lowered:
.L_overlay_start_2:
0x3c: {  	(tag) =	ssettag $0x2  }
0x3d: {  	s0 =	rddreg [dreg:$0x0];
	s2 =	stileid.u32  }
0x3e: {  	s1 =	rddreg [dreg:$0x1];
	p0 =	sne.s32 s2, $0x0  }
0x3f: {  	s3 =	rddreg [dreg:$0x2];
	[bflag:$0x3] =	sbarrier.arrive $0xFFFF;
	s2 =	simm.s32 @!p0 $0x1C01  }
0x40: {  	[timem:s3], [sflag:s2] =	dma.local @!p0 [hbm:s0], s1  }
0x41: {  	s0 =	simm.s32 @!p0 $0x1  }
0x42: {  	_ =	swait.ge @!p0 [sflag:s0], s1  }
0x43: {  	s1 =	ssub.s32 @!p0 $0x0, s1;
	[sflag:s0] =	ssyncset.done @!p0 $0x0  }
0x44: {  	[sflag:s0] =	ssyncadd.s32 @!p0 s1  }
0x45: {  	[bflag:$0x3] =	sbarrier.arrive $0xFFFF  }
0x46: {  	_ =	shalt  }

</sc_bundles>
